<compile_context>
chip_gen: v7x
topology: tpu7x:2x2x1
jax: 0.10.2.dev20260603
libtpu: 0.0.44.dev20260713+nightly
codegen_flags: <defaults>
</compile_context>

<pallas_src>
import functools

import jax
import jax.numpy as jnp
from jax import lax
from jax.experimental import pallas as pl
from jax.experimental.pallas import tpu as pltpu
from jax.experimental.pallas import tpu_sc as plsc

D_MODEL = 64
NUM_WORKERS = 32
CHUNK_B = 4
NBUF = 2


@functools.lru_cache(maxsize=None)
def _build(B: int, T: int):
    b_per_w = B // NUM_WORKERS
    n_chunks = b_per_w // CHUNK_B
    n_outer = n_chunks // NBUF
    mesh = plsc.VectorSubcoreMesh(core_axis_name="c", subcore_axis_name="s")

    @functools.partial(
        pl.kernel,
        mesh=mesh,
        out_type=jax.ShapeDtypeStruct((B, T, D_MODEL), jnp.float32),
        scratch_types=[
            pltpu.VMEM((NBUF, CHUNK_B, T), jnp.int32),
            pltpu.VMEM((NBUF, CHUNK_B, T, D_MODEL), jnp.float32),
            [pltpu.SemaphoreType.DMA] * NBUF,
            [pltpu.SemaphoreType.DMA] * NBUF,
        ],
        compiler_params=pltpu.CompilerParams(use_tc_tiling_on_sc=False),
    )
    def emb_kernel(idx_hbm, table_hbm, out_hbm, idx_v, rows_v, gsems, wsems):
        num_cores = 2
        wid = lax.axis_index("s") * num_cores + lax.axis_index("c")
        base = wid * b_per_w

        def body(io, _):
            for b in range(NBUF):
                i = io * NBUF + b
                b0 = base + i * CHUNK_B
                @pl.when(io > 0)
                def _():
                    pltpu.make_async_copy(
                        rows_v.at[b], out_hbm.at[pl.ds(b0, CHUNK_B)], wsems[b]
                    ).wait()

                pltpu.sync_copy(idx_hbm.at[pl.ds(b0, CHUNK_B)], idx_v.at[b])
                copies = []
                for j in range(CHUNK_B):
                    copies.append(
                        pltpu.async_copy(
                            table_hbm.at[idx_v.at[b].at[j]],
                            rows_v.at[b].at[j],
                            gsems[b],
                        )
                    )
                for c in copies:
                    c.wait()
                pltpu.async_copy(
                    rows_v.at[b], out_hbm.at[pl.ds(b0, CHUNK_B)], wsems[b]
                )
            return 0

        lax.fori_loop(0, n_outer, body, 0)
        for b in range(NBUF):
            b0 = base + (n_chunks - NBUF + b) * CHUNK_B
            pltpu.make_async_copy(
                rows_v.at[b], out_hbm.at[pl.ds(b0, CHUNK_B)], wsems[b]
            ).wait()

    return emb_kernel


def kernel(input_ids, embedding_weight):
    B, T = input_ids.shape
    ids = input_ids.astype(jnp.int32)
    return _build(B, T)(ids, embedding_weight)

# --- scband reference (transcript-rebuilt; emitter-appended) ---
"""Pipeline reference for scband-mock-embed-tokens-70007966925444 (READ-ONLY COPY).

The authoritative reference and input builder live on the scoring server;
editing this copy changes nothing except your own understanding.
"""

import jax, jax.numpy as jnp
import numpy as np

VOCAB_SIZE = 1000000
D_MODEL = 64

def setup_inputs(seed: int = 0) -> dict:
    key = jax.random.key(seed)
    k1, k2 = jax.random.split(key)
    input_ids = jax.random.randint(k1, (4096, 200), 0, VOCAB_SIZE, dtype=jnp.int64 if jax.config.jax_enable_x64 else jnp.int32)
    embedding_weight = jax.random.normal(k2, (VOCAB_SIZE, D_MODEL), dtype=jnp.float32)
    return {"input_ids": input_ids, "embedding_weight": embedding_weight}

def reference(input_ids, embedding_weight):
    # nn.Embedding forward: row gather from the embedding table
    return jnp.take(embedding_weight, input_ids, axis=0)

if __name__ == "__main__":
    import jax
    _d = setup_inputs()
    print(jax.jit(kernel)(*tuple(_d.values())))

</pallas_src>

<mosaic_0001>
#map = affine_map<(d0, d1) -> (0, 0)>
#map1 = affine_map<(d0, d1) -> (0, 0, 0)>
module attributes {stable_mosaic.version = 14 : i64} {
  func.func @emb_kernel(%arg0: i32, %arg1: i32, %arg2: memref<4096x200xi32, #tpu.memory_space<hbm>>, %arg3: memref<1000000x64xf32, #tpu.memory_space<hbm>>, %arg4: memref<4096x200x64xf32, #tpu.memory_space<hbm>>, %arg5: memref<2x4x200xi32, #tpu.memory_space<vmem>>, %arg6: memref<2x4x200x64xf32, #tpu.memory_space<vmem>>, %arg7: memref<!tpu.dma_semaphore, #tpu.memory_space<semaphore_mem>>, %arg8: memref<!tpu.dma_semaphore, #tpu.memory_space<semaphore_mem>>, %arg9: memref<!tpu.dma_semaphore, #tpu.memory_space<semaphore_mem>>, %arg10: memref<!tpu.dma_semaphore, #tpu.memory_space<semaphore_mem>>) attributes {dimension_semantics = [#tpu.dimension_semantics<core_parallel>, #tpu.dimension_semantics<subcore_parallel>], iteration_bounds = array<i64: 2, 16>, scalar_prefetch = 0 : i64, scratch_operands = 6 : i64, tpu.core_type = #tpu.core_type<sc_vector_subcore>, window_params = [{transform_indices = #map}, {transform_indices = #map}, {transform_indices = #map1}]} {
    %mul3A = arith.constant 2 : i32
    %mul3A_0 = arith.muli %arg1, %mul3A : i32
    %add3A = arith.addi %mul3A_0, %arg0 : i32
    %mul3A_1 = arith.constant 128 : i32
    %mul3A_2 = arith.muli %add3A, %mul3A_1 : i32
    %scan3A = arith.constant 0 : i32
    %scan3A_3 = arith.constant 0 : i32
    %scan3A_4 = arith.constant 16 : i32
    %scan3A_5 = arith.addi %scan3A_3, %scan3A_4 : i32
    %scan3A_6 = arith.constant 1 : i32
    %scan3A_7 = scf.for %scan3A_46 = %scan3A_3 to %scan3A_5 step %scan3A_6 iter_args(%scan3A_47 = %scan3A) -> (i32)  : i32 {
      %mul3A_48 = arith.constant 2 : i32
      %mul3A_49 = arith.muli %scan3A_46, %mul3A_48 : i32
      %add3A_50 = arith.constant 0 : i32
      %add3A_51 = arith.addi %mul3A_49, %add3A_50 : i32
      %mul3A_52 = arith.constant 4 : i32
      %mul3A_53 = arith.muli %add3A_51, %mul3A_52 : i32
      %add3A_54 = arith.addi %mul3A_2, %mul3A_53 : i32
      %gt3A = arith.constant 0 : i32
      %gt3A_55 = arith.cmpi sgt, %scan3A_46, %gt3A : i32
      %convert_element_type3A = arith.extui %gt3A_55 : i1 to i32
      %cond3A = arith.constant 0 : i32
      %cond3A_56 = arith.cmpi ne, %convert_element_type3A, %cond3A : i32
      scf.if %cond3A_56 {
        %dma_wait3A_472 = arith.constant 0 : i32
        %dma_wait3A_473 = arith.constant 0 : i32
        %dma_wait3A_474 = arith.constant 0 : i32
        %dma_wait3A_475 = arith.constant 0 : i32
        %dma_wait3A_476 = tpu.memref_slice %arg6[%dma_wait3A_472, %dma_wait3A_473, %dma_wait3A_474, %dma_wait3A_475] : memref<2x4x200x64xf32, #tpu.memory_space<vmem>> -> memref<1x4x200x64xf32, #tpu.memory_space<vmem>>
        %dma_wait3A_477 = tpu.memref_squeeze %dma_wait3A_476 : memref<1x4x200x64xf32, #tpu.memory_space<vmem>> -> memref<4x200x64xf32, #tpu.memory_space<vmem>>
        %dma_wait3A_478 = arith.constant 0 : i32
        %dma_wait3A_479 = arith.constant 0 : i32
        %dma_wait3A_480 = tpu.memref_slice %arg4[%add3A_54, %dma_wait3A_478, %dma_wait3A_479] : memref<4096x200x64xf32, #tpu.memory_space<hbm>> -> memref<4x200x64xf32, #tpu.memory_space<hbm>>
        %dma_wait3A_481 = arith.constant 0 : i32
        %dma_wait3A_482 = arith.constant 0 : i32
        %dma_wait3A_483 = tpu.memref_slice %arg4[%add3A_54, %dma_wait3A_481, %dma_wait3A_482] : memref<4096x200x64xf32, #tpu.memory_space<hbm>> -> memref<4x200x64xf32, #tpu.memory_space<hbm>>
        %dma_wait3A_484 = arith.constant 0 : i32
        %dma_wait3A_485 = arith.constant 0 : i32
        %dma_wait3A_486 = arith.constant 0 : i32
        %dma_wait3A_487 = tpu.memref_slice %arg6[%dma_wait3A_472, %dma_wait3A_484, %dma_wait3A_485, %dma_wait3A_486] : memref<2x4x200x64xf32, #tpu.memory_space<vmem>> -> memref<1x4x200x64xf32, #tpu.memory_space<vmem>>
        %dma_wait3A_488 = tpu.memref_squeeze %dma_wait3A_487 : memref<1x4x200x64xf32, #tpu.memory_space<vmem>> -> memref<4x200x64xf32, #tpu.memory_space<vmem>>
        tpu.wait_dma2 semaphore(%arg9 : memref<!tpu.dma_semaphore, #tpu.memory_space<semaphore_mem>>) src(%dma_wait3A_488 : memref<4x200x64xf32, #tpu.memory_space<vmem>>) dst(%dma_wait3A_483 : memref<4x200x64xf32, #tpu.memory_space<hbm>>)
      } else {
      }
      %run_scoped3A = arith.constant 0 : i32
      "tpu.region"() ({
        %run_scoped3A_472 = tpu.sem_alloc : memref<!tpu.dma_semaphore, #tpu.memory_space<semaphore_mem>>
        %dma_start3A_473 = arith.constant 0 : i32
        %dma_start3A_474 = arith.constant 0 : i32
        %dma_start3A_475 = tpu.memref_slice %arg5[%run_scoped3A, %dma_start3A_473, %dma_start3A_474] : memref<2x4x200xi32, #tpu.memory_space<vmem>> -> memref<1x4x200xi32, #tpu.memory_space<vmem>>
        %dma_start3A_476 = tpu.memref_squeeze %dma_start3A_475 : memref<1x4x200xi32, #tpu.memory_space<vmem>> -> memref<4x200xi32, #tpu.memory_space<vmem>>
        %dma_start3A_477 = arith.constant 0 : i32
        %dma_start3A_478 = tpu.memref_slice %arg2[%add3A_54, %dma_start3A_477] : memref<4096x200xi32, #tpu.memory_space<hbm>> -> memref<4x200xi32, #tpu.memory_space<hbm>>
        %dma_start3A_479 = arith.constant 0 : i32
        %dma_start3A_480 = arith.constant 0 : i32
        %dma_start3A_481 = tpu.memref_slice %arg5[%run_scoped3A, %dma_start3A_479, %dma_start3A_480] : memref<2x4x200xi32, #tpu.memory_space<vmem>> -> memref<1x4x200xi32, #tpu.memory_space<vmem>>
        %dma_start3A_482 = tpu.memref_squeeze %dma_start3A_481 : memref<1x4x200xi32, #tpu.memory_space<vmem>> -> memref<4x200xi32, #tpu.memory_space<vmem>>
        %dma_start3A_483 = arith.constant 0 : i32
        %dma_start3A_484 = tpu.memref_slice %arg2[%add3A_54, %dma_start3A_483] : memref<4096x200xi32, #tpu.memory_space<hbm>> -> memref<4x200xi32, #tpu.memory_space<hbm>>
        tpu.enqueue_dma source(%dma_start3A_484 : memref<4x200xi32, #tpu.memory_space<hbm>>) target(%dma_start3A_482 : memref<4x200xi32, #tpu.memory_space<vmem>>) target_semaphore(%run_scoped3A_472 : memref<!tpu.dma_semaphore, #tpu.memory_space<semaphore_mem>>)
        %dma_wait3A_485 = arith.constant 0 : i32
        %dma_wait3A_486 = arith.constant 0 : i32
        %dma_wait3A_487 = tpu.memref_slice %arg5[%run_scoped3A, %dma_wait3A_485, %dma_wait3A_486] : memref<2x4x200xi32, #tpu.memory_space<vmem>> -> memref<1x4x200xi32, #tpu.memory_space<vmem>>
        %dma_wait3A_488 = tpu.memref_squeeze %dma_wait3A_487 : memref<1x4x200xi32, #tpu.memory_space<vmem>> -> memref<4x200xi32, #tpu.memory_space<vmem>>
        %dma_wait3A_489 = arith.constant 0 : i32
        %dma_wait3A_490 = tpu.memref_slice %arg2[%add3A_54, %dma_wait3A_489] : memref<4096x200xi32, #tpu.memory_space<hbm>> -> memref<4x200xi32, #tpu.memory_space<hbm>>
        %dma_wait3A_491 = arith.constant 0 : i32
        %dma_wait3A_492 = arith.constant 0 : i32
        %dma_wait3A_493 = tpu.memref_slice %arg5[%run_scoped3A, %dma_wait3A_491, %dma_wait3A_492] : memref<2x4x200xi32, #tpu.memory_space<vmem>> -> memref<1x4x200xi32, #tpu.memory_space<vmem>>
        %dma_wait3A_494 = tpu.memref_squeeze %dma_wait3A_493 : memref<1x4x200xi32, #tpu.memory_space<vmem>> -> memref<4x200xi32, #tpu.memory_space<vmem>>
        %dma_wait3A_495 = arith.constant 0 : i32
        %dma_wait3A_496 = tpu.memref_slice %arg2[%add3A_54, %dma_wait3A_495] : memref<4096x200xi32, #tpu.memory_space<hbm>> -> memref<4x200xi32, #tpu.memory_space<hbm>>
        tpu.wait_dma2 semaphore(%run_scoped3A_472 : memref<!tpu.dma_semaphore, #tpu.memory_space<semaphore_mem>>) src(%dma_wait3A_496 : memref<4x200xi32, #tpu.memory_space<hbm>>) dst(%dma_wait3A_494 : memref<4x200xi32, #tpu.memory_space<vmem>>)
        tpu.yield
      }) : () -> ()
      %dma_start3A = arith.constant 0 : i32
      %dma_start3A_57 = arith.constant 0 : i32
      %dma_start3A_58 = arith.constant 0 : i32
      %dma_start3A_59 = arith.constant 0 : i32
      %dma_start3A_60 = arith.constant 0 : i32
      %dma_start3A_61 = arith.constant 0 : i32
      %dma_start3A_62 = arith.constant 0 : i32
      %dma_start3A_63 = tpu.memref_slice %arg6[%dma_start3A_58, %dma_start3A_60, %dma_start3A_61, %dma_start3A_62] : memref<2x4x200x64xf32, #tpu.memory_space<vmem>> -> memref<1x4x200x64xf32, #tpu.memory_space<vmem>>
      %dma_start3A_64 = tpu.memref_squeeze %dma_start3A_63 : memref<1x4x200x64xf32, #tpu.memory_space<vmem>> -> memref<4x200x64xf32, #tpu.memory_space<vmem>>
      %dma_start3A_65 = arith.constant 0 : i32
      %dma_start3A_66 = arith.constant 0 : i32
      %dma_start3A_67 = tpu.memref_slice %dma_start3A_64[%dma_start3A_59, %dma_start3A_65, %dma_start3A_66] : memref<4x200x64xf32, #tpu.memory_space<vmem>> -> memref<1x200x64xf32, #tpu.memory_space<vmem>>
      %dma_start3A_68 = tpu.memref_squeeze %dma_start3A_67 : memref<1x200x64xf32, #tpu.memory_space<vmem>> -> memref<200x64xf32, #tpu.memory_space<vmem>>
      %dma_start3A_69 = arith.constant 0 : i32
      %dma_start3A_70 = arith.constant 0 : i32
      %dma_start3A_71 = tpu.memref_slice %arg5[%dma_start3A, %dma_start3A_69, %dma_start3A_70] : memref<2x4x200xi32, #tpu.memory_space<vmem>> -> memref<1x4x200xi32, #tpu.memory_space<vmem>>
      %dma_start3A_72 = tpu.memref_squeeze %dma_start3A_71 : memref<1x4x200xi32, #tpu.memory_space<vmem>> -> memref<4x200xi32, #tpu.memory_space<vmem>>
      %dma_start3A_73 = arith.constant 0 : i32
      %dma_start3A_74 = tpu.memref_slice %dma_start3A_72[%dma_start3A_57, %dma_start3A_73] : memref<4x200xi32, #tpu.memory_space<vmem>> -> memref<1x200xi32, #tpu.memory_space<vmem>>
      %dma_start3A_75 = tpu.memref_squeeze %dma_start3A_74 : memref<1x200xi32, #tpu.memory_space<vmem>> -> memref<200xi32, #tpu.memory_space<vmem>>
      %dma_start3A_76 = arith.constant 0 : i32
      %dma_start3A_77 = arith.constant 0 : i32
      %dma_start3A_78 = tpu.memref_slice %arg3[%dma_start3A_76, %dma_start3A_77] : memref<1000000x64xf32, #tpu.memory_space<hbm>> -> memref<1000000x64xf32, #tpu.memory_space<hbm>>
      tpu.enqueue_indirect_dma source(%dma_start3A_78 : memref<1000000x64xf32, #tpu.memory_space<hbm>>) target(%dma_start3A_68 : memref<200x64xf32, #tpu.memory_space<vmem>>) offsets(%dma_start3A_75 : memref<200xi32, #tpu.memory_space<vmem>>) semaphore(%arg7 : memref<!tpu.dma_semaphore, #tpu.memory_space<semaphore_mem>>)
      %dma_start3A_79 = arith.constant 0 : i32
      %dma_start3A_80 = arith.constant 1 : i32
      %dma_start3A_81 = arith.constant 0 : i32
      %dma_start3A_82 = arith.constant 1 : i32
      %dma_start3A_83 = arith.constant 0 : i32
      %dma_start3A_84 = arith.constant 0 : i32
      %dma_start3A_85 = arith.constant 0 : i32
      %dma_start3A_86 = tpu.memref_slice %arg6[%dma_start3A_81, %dma_start3A_83, %dma_start3A_84, %dma_start3A_85] : memref<2x4x200x64xf32, #tpu.memory_space<vmem>> -> memref<1x4x200x64xf32, #tpu.memory_space<vmem>>
      %dma_start3A_87 = tpu.memref_squeeze %dma_start3A_86 : memref<1x4x200x64xf32, #tpu.memory_space<vmem>> -> memref<4x200x64xf32, #tpu.memory_space<vmem>>
      %dma_start3A_88 = arith.constant 0 : i32
      %dma_start3A_89 = arith.constant 0 : i32
      %dma_start3A_90 = tpu.memref_slice %dma_start3A_87[%dma_start3A_82, %dma_start3A_88, %dma_start3A_89] : memref<4x200x64xf32, #tpu.memory_space<vmem>> -> memref<1x200x64xf32, #tpu.memory_space<vmem>>
      %dma_start3A_91 = tpu.memref_squeeze %dma_start3A_90 : memref<1x200x64xf32, #tpu.memory_space<vmem>> -> memref<200x64xf32, #tpu.memory_space<vmem>>
      %dma_start3A_92 = arith.constant 0 : i32
      %dma_start3A_93 = arith.constant 0 : i32
      %dma_start3A_94 = tpu.memref_slice %arg5[%dma_start3A_79, %dma_start3A_92, %dma_start3A_93] : memref<2x4x200xi32, #tpu.memory_space<vmem>> -> memref<1x4x200xi32, #tpu.memory_space<vmem>>
      %dma_start3A_95 = tpu.memref_squeeze %dma_start3A_94 : memref<1x4x200xi32, #tpu.memory_space<vmem>> -> memref<4x200xi32, #tpu.memory_space<vmem>>
      %dma_start3A_96 = arith.constant 0 : i32
      %dma_start3A_97 = tpu.memref_slice %dma_start3A_95[%dma_start3A_80, %dma_start3A_96] : memref<4x200xi32, #tpu.memory_space<vmem>> -> memref<1x200xi32, #tpu.memory_space<vmem>>
      %dma_start3A_98 = tpu.memref_squeeze %dma_start3A_97 : memref<1x200xi32, #tpu.memory_space<vmem>> -> memref<200xi32, #tpu.memory_space<vmem>>
      %dma_start3A_99 = arith.constant 0 : i32
      %dma_start3A_100 = arith.constant 0 : i32
      %dma_start3A_101 = tpu.memref_slice %arg3[%dma_start3A_99, %dma_start3A_100] : memref<1000000x64xf32, #tpu.memory_space<hbm>> -> memref<1000000x64xf32, #tpu.memory_space<hbm>>
      tpu.enqueue_indirect_dma source(%dma_start3A_101 : memref<1000000x64xf32, #tpu.memory_space<hbm>>) target(%dma_start3A_91 : memref<200x64xf32, #tpu.memory_space<vmem>>) offsets(%dma_start3A_98 : memref<200xi32, #tpu.memory_space<vmem>>) semaphore(%arg7 : memref<!tpu.dma_semaphore, #tpu.memory_space<semaphore_mem>>)
      %dma_start3A_102 = arith.constant 0 : i32
      %dma_start3A_103 = arith.constant 2 : i32
      %dma_start3A_104 = arith.constant 0 : i32
      %dma_start3A_105 = arith.constant 2 : i32
      %dma_start3A_106 = arith.constant 0 : i32
      %dma_start3A_107 = arith.constant 0 : i32
      %dma_start3A_108 = arith.constant 0 : i32
      %dma_start3A_109 = tpu.memref_slice %arg6[%dma_start3A_104, %dma_start3A_106, %dma_start3A_107, %dma_start3A_108] : memref<2x4x200x64xf32, #tpu.memory_space<vmem>> -> memref<1x4x200x64xf32, #tpu.memory_space<vmem>>
      %dma_start3A_110 = tpu.memref_squeeze %dma_start3A_109 : memref<1x4x200x64xf32, #tpu.memory_space<vmem>> -> memref<4x200x64xf32, #tpu.memory_space<vmem>>
      %dma_start3A_111 = arith.constant 0 : i32
      %dma_start3A_112 = arith.constant 0 : i32
      %dma_start3A_113 = tpu.memref_slice %dma_start3A_110[%dma_start3A_105, %dma_start3A_111, %dma_start3A_112] : memref<4x200x64xf32, #tpu.memory_space<vmem>> -> memref<1x200x64xf32, #tpu.memory_space<vmem>>
      %dma_start3A_114 = tpu.memref_squeeze %dma_start3A_113 : memref<1x200x64xf32, #tpu.memory_space<vmem>> -> memref<200x64xf32, #tpu.memory_space<vmem>>
      %dma_start3A_115 = arith.constant 0 : i32
      %dma_start3A_116 = arith.constant 0 : i32
      %dma_start3A_117 = tpu.memref_slice %arg5[%dma_start3A_102, %dma_start3A_115, %dma_start3A_116] : memref<2x4x200xi32, #tpu.memory_space<vmem>> -> memref<1x4x200xi32, #tpu.memory_space<vmem>>
      %dma_start3A_118 = tpu.memref_squeeze %dma_start3A_117 : memref<1x4x200xi32, #tpu.memory_space<vmem>> -> memref<4x200xi32, #tpu.memory_space<vmem>>
      %dma_start3A_119 = arith.constant 0 : i32
      %dma_start3A_120 = tpu.memref_slice %dma_start3A_118[%dma_start3A_103, %dma_start3A_119] : memref<4x200xi32, #tpu.memory_space<vmem>> -> memref<1x200xi32, #tpu.memory_space<vmem>>
      %dma_start3A_121 = tpu.memref_squeeze %dma_start3A_120 : memref<1x200xi32, #tpu.memory_space<vmem>> -> memref<200xi32, #tpu.memory_space<vmem>>
      %dma_start3A_122 = arith.constant 0 : i32
      %dma_start3A_123 = arith.constant 0 : i32
      %dma_start3A_124 = tpu.memref_slice %arg3[%dma_start3A_122, %dma_start3A_123] : memref<1000000x64xf32, #tpu.memory_space<hbm>> -> memref<1000000x64xf32, #tpu.memory_space<hbm>>
      tpu.enqueue_indirect_dma source(%dma_start3A_124 : memref<1000000x64xf32, #tpu.memory_space<hbm>>) target(%dma_start3A_114 : memref<200x64xf32, #tpu.memory_space<vmem>>) offsets(%dma_start3A_121 : memref<200xi32, #tpu.memory_space<vmem>>) semaphore(%arg7 : memref<!tpu.dma_semaphore, #tpu.memory_space<semaphore_mem>>)
      %dma_start3A_125 = arith.constant 0 : i32
      %dma_start3A_126 = arith.constant 3 : i32
      %dma_start3A_127 = arith.constant 0 : i32
      %dma_start3A_128 = arith.constant 3 : i32
      %dma_start3A_129 = arith.constant 0 : i32
      %dma_start3A_130 = arith.constant 0 : i32
      %dma_start3A_131 = arith.constant 0 : i32
      %dma_start3A_132 = tpu.memref_slice %arg6[%dma_start3A_127, %dma_start3A_129, %dma_start3A_130, %dma_start3A_131] : memref<2x4x200x64xf32, #tpu.memory_space<vmem>> -> memref<1x4x200x64xf32, #tpu.memory_space<vmem>>
      %dma_start3A_133 = tpu.memref_squeeze %dma_start3A_132 : memref<1x4x200x64xf32, #tpu.memory_space<vmem>> -> memref<4x200x64xf32, #tpu.memory_space<vmem>>
      %dma_start3A_134 = arith.constant 0 : i32
      %dma_start3A_135 = arith.constant 0 : i32
      %dma_start3A_136 = tpu.memref_slice %dma_start3A_133[%dma_start3A_128, %dma_start3A_134, %dma_start3A_135] : memref<4x200x64xf32, #tpu.memory_space<vmem>> -> memref<1x200x64xf32, #tpu.memory_space<vmem>>
      %dma_start3A_137 = tpu.memref_squeeze %dma_start3A_136 : memref<1x200x64xf32, #tpu.memory_space<vmem>> -> memref<200x64xf32, #tpu.memory_space<vmem>>
      %dma_start3A_138 = arith.constant 0 : i32
      %dma_start3A_139 = arith.constant 0 : i32
      %dma_start3A_140 = tpu.memref_slice %arg5[%dma_start3A_125, %dma_start3A_138, %dma_start3A_139] : memref<2x4x200xi32, #tpu.memory_space<vmem>> -> memref<1x4x200xi32, #tpu.memory_space<vmem>>
      %dma_start3A_141 = tpu.memref_squeeze %dma_start3A_140 : memref<1x4x200xi32, #tpu.memory_space<vmem>> -> memref<4x200xi32, #tpu.memory_space<vmem>>
      %dma_start3A_142 = arith.constant 0 : i32
      %dma_start3A_143 = tpu.memref_slice %dma_start3A_141[%dma_start3A_126, %dma_start3A_142] : memref<4x200xi32, #tpu.memory_space<vmem>> -> memref<1x200xi32, #tpu.memory_space<vmem>>
      %dma_start3A_144 = tpu.memref_squeeze %dma_start3A_143 : memref<1x200xi32, #tpu.memory_space<vmem>> -> memref<200xi32, #tpu.memory_space<vmem>>
      %dma_start3A_145 = arith.constant 0 : i32
      %dma_start3A_146 = arith.constant 0 : i32
      %dma_start3A_147 = tpu.memref_slice %arg3[%dma_start3A_145, %dma_start3A_146] : memref<1000000x64xf32, #tpu.memory_space<hbm>> -> memref<1000000x64xf32, #tpu.memory_space<hbm>>
      tpu.enqueue_indirect_dma source(%dma_start3A_147 : memref<1000000x64xf32, #tpu.memory_space<hbm>>) target(%dma_start3A_137 : memref<200x64xf32, #tpu.memory_space<vmem>>) offsets(%dma_start3A_144 : memref<200xi32, #tpu.memory_space<vmem>>) semaphore(%arg7 : memref<!tpu.dma_semaphore, #tpu.memory_space<semaphore_mem>>)
      %dma_wait3A_148 = arith.constant 0 : i32
      %dma_wait3A_149 = arith.constant 0 : i32
      %dma_wait3A_150 = arith.constant 0 : i32
      %dma_wait3A_151 = arith.constant 0 : i32
      %dma_wait3A_152 = arith.constant 0 : i32
      %dma_wait3A_153 = arith.constant 0 : i32
      %dma_wait3A_154 = arith.constant 0 : i32
      %dma_wait3A_155 = tpu.memref_slice %arg6[%dma_wait3A_150, %dma_wait3A_152, %dma_wait3A_153, %dma_wait3A_154] : memref<2x4x200x64xf32, #tpu.memory_space<vmem>> -> memref<1x4x200x64xf32, #tpu.memory_space<vmem>>
      %dma_wait3A_156 = tpu.memref_squeeze %dma_wait3A_155 : memref<1x4x200x64xf32, #tpu.memory_space<vmem>> -> memref<4x200x64xf32, #tpu.memory_space<vmem>>
      %dma_wait3A_157 = arith.constant 0 : i32
      %dma_wait3A_158 = arith.constant 0 : i32
      %dma_wait3A_159 = tpu.memref_slice %dma_wait3A_156[%dma_wait3A_151, %dma_wait3A_157, %dma_wait3A_158] : memref<4x200x64xf32, #tpu.memory_space<vmem>> -> memref<1x200x64xf32, #tpu.memory_space<vmem>>
      %dma_wait3A_160 = tpu.memref_squeeze %dma_wait3A_159 : memref<1x200x64xf32, #tpu.memory_space<vmem>> -> memref<200x64xf32, #tpu.memory_space<vmem>>
      %dma_wait3A_161 = arith.constant 0 : i32
      %dma_wait3A_162 = arith.constant 0 : i32
      %dma_wait3A_163 = tpu.memref_slice %arg5[%dma_wait3A_148, %dma_wait3A_161, %dma_wait3A_162] : memref<2x4x200xi32, #tpu.memory_space<vmem>> -> memref<1x4x200xi32, #tpu.memory_space<vmem>>
      %dma_wait3A_164 = tpu.memref_squeeze %dma_wait3A_163 : memref<1x4x200xi32, #tpu.memory_space<vmem>> -> memref<4x200xi32, #tpu.memory_space<vmem>>
      %dma_wait3A_165 = arith.constant 0 : i32
      %dma_wait3A_166 = tpu.memref_slice %dma_wait3A_164[%dma_wait3A_149, %dma_wait3A_165] : memref<4x200xi32, #tpu.memory_space<vmem>> -> memref<1x200xi32, #tpu.memory_space<vmem>>
      %dma_wait3A_167 = tpu.memref_squeeze %dma_wait3A_166 : memref<1x200xi32, #tpu.memory_space<vmem>> -> memref<200xi32, #tpu.memory_space<vmem>>
      %dma_wait3A_168 = arith.constant 0 : i32
      %dma_wait3A_169 = arith.constant 0 : i32
      %dma_wait3A_170 = tpu.memref_slice %arg3[%dma_wait3A_168, %dma_wait3A_169] : memref<1000000x64xf32, #tpu.memory_space<hbm>> -> memref<1000000x64xf32, #tpu.memory_space<hbm>>
      tpu.wait_indirect_dma semaphore(%arg7 : memref<!tpu.dma_semaphore, #tpu.memory_space<semaphore_mem>>) src(%dma_wait3A_170 : memref<1000000x64xf32, #tpu.memory_space<hbm>>) dst(%dma_wait3A_160 : memref<200x64xf32, #tpu.memory_space<vmem>>)
      %dma_wait3A_171 = arith.constant 0 : i32
      %dma_wait3A_172 = arith.constant 1 : i32
      %dma_wait3A_173 = arith.constant 0 : i32
      %dma_wait3A_174 = arith.constant 1 : i32
      %dma_wait3A_175 = arith.constant 0 : i32
      %dma_wait3A_176 = arith.constant 0 : i32
      %dma_wait3A_177 = arith.constant 0 : i32
      %dma_wait3A_178 = tpu.memref_slice %arg6[%dma_wait3A_173, %dma_wait3A_175, %dma_wait3A_176, %dma_wait3A_177] : memref<2x4x200x64xf32, #tpu.memory_space<vmem>> -> memref<1x4x200x64xf32, #tpu.memory_space<vmem>>
      %dma_wait3A_179 = tpu.memref_squeeze %dma_wait3A_178 : memref<1x4x200x64xf32, #tpu.memory_space<vmem>> -> memref<4x200x64xf32, #tpu.memory_space<vmem>>
      %dma_wait3A_180 = arith.constant 0 : i32
      %dma_wait3A_181 = arith.constant 0 : i32
      %dma_wait3A_182 = tpu.memref_slice %dma_wait3A_179[%dma_wait3A_174, %dma_wait3A_180, %dma_wait3A_181] : memref<4x200x64xf32, #tpu.memory_space<vmem>> -> memref<1x200x64xf32, #tpu.memory_space<vmem>>
      %dma_wait3A_183 = tpu.memref_squeeze %dma_wait3A_182 : memref<1x200x64xf32, #tpu.memory_space<vmem>> -> memref<200x64xf32, #tpu.memory_space<vmem>>
      %dma_wait3A_184 = arith.constant 0 : i32
      %dma_wait3A_185 = arith.constant 0 : i32
      %dma_wait3A_186 = tpu.memref_slice %arg5[%dma_wait3A_171, %dma_wait3A_184, %dma_wait3A_185] : memref<2x4x200xi32, #tpu.memory_space<vmem>> -> memref<1x4x200xi32, #tpu.memory_space<vmem>>
      %dma_wait3A_187 = tpu.memref_squeeze %dma_wait3A_186 : memref<1x4x200xi32, #tpu.memory_space<vmem>> -> memref<4x200xi32, #tpu.memory_space<vmem>>
      %dma_wait3A_188 = arith.constant 0 : i32
      %dma_wait3A_189 = tpu.memref_slice %dma_wait3A_187[%dma_wait3A_172, %dma_wait3A_188] : memref<4x200xi32, #tpu.memory_space<vmem>> -> memref<1x200xi32, #tpu.memory_space<vmem>>
      %dma_wait3A_190 = tpu.memref_squeeze %dma_wait3A_189 : memref<1x200xi32, #tpu.memory_space<vmem>> -> memref<200xi32, #tpu.memory_space<vmem>>
      %dma_wait3A_191 = arith.constant 0 : i32
      %dma_wait3A_192 = arith.constant 0 : i32
      %dma_wait3A_193 = tpu.memref_slice %arg3[%dma_wait3A_191, %dma_wait3A_192] : memref<1000000x64xf32, #tpu.memory_space<hbm>> -> memref<1000000x64xf32, #tpu.memory_space<hbm>>
      tpu.wait_indirect_dma semaphore(%arg7 : memref<!tpu.dma_semaphore, #tpu.memory_space<semaphore_mem>>) src(%dma_wait3A_193 : memref<1000000x64xf32, #tpu.memory_space<hbm>>) dst(%dma_wait3A_183 : memref<200x64xf32, #tpu.memory_space<vmem>>)
      %dma_wait3A_194 = arith.constant 0 : i32
      %dma_wait3A_195 = arith.constant 2 : i32
      %dma_wait3A_196 = arith.constant 0 : i32
      %dma_wait3A_197 = arith.constant 2 : i32
      %dma_wait3A_198 = arith.constant 0 : i32
      %dma_wait3A_199 = arith.constant 0 : i32
      %dma_wait3A_200 = arith.constant 0 : i32
      %dma_wait3A_201 = tpu.memref_slice %arg6[%dma_wait3A_196, %dma_wait3A_198, %dma_wait3A_199, %dma_wait3A_200] : memref<2x4x200x64xf32, #tpu.memory_space<vmem>> -> memref<1x4x200x64xf32, #tpu.memory_space<vmem>>
      %dma_wait3A_202 = tpu.memref_squeeze %dma_wait3A_201 : memref<1x4x200x64xf32, #tpu.memory_space<vmem>> -> memref<4x200x64xf32, #tpu.memory_space<vmem>>
      %dma_wait3A_203 = arith.constant 0 : i32
      %dma_wait3A_204 = arith.constant 0 : i32
      %dma_wait3A_205 = tpu.memref_slice %dma_wait3A_202[%dma_wait3A_197, %dma_wait3A_203, %dma_wait3A_204] : memref<4x200x64xf32, #tpu.memory_space<vmem>> -> memref<1x200x64xf32, #tpu.memory_space<vmem>>
      %dma_wait3A_206 = tpu.memref_squeeze %dma_wait3A_205 : memref<1x200x64xf32, #tpu.memory_space<vmem>> -> memref<200x64xf32, #tpu.memory_space<vmem>>
      %dma_wait3A_207 = arith.constant 0 : i32
      %dma_wait3A_208 = arith.constant 0 : i32
      %dma_wait3A_209 = tpu.memref_slice %arg5[%dma_wait3A_194, %dma_wait3A_207, %dma_wait3A_208] : memref<2x4x200xi32, #tpu.memory_space<vmem>> -> memref<1x4x200xi32, #tpu.memory_space<vmem>>
      %dma_wait3A_210 = tpu.memref_squeeze %dma_wait3A_209 : memref<1x4x200xi32, #tpu.memory_space<vmem>> -> memref<4x200xi32, #tpu.memory_space<vmem>>
      %dma_wait3A_211 = arith.constant 0 : i32
      %dma_wait3A_212 = tpu.memref_slice %dma_wait3A_210[%dma_wait3A_195, %dma_wait3A_211] : memref<4x200xi32, #tpu.memory_space<vmem>> -> memref<1x200xi32, #tpu.memory_space<vmem>>
      %dma_wait3A_213 = tpu.memref_squeeze %dma_wait3A_212 : memref<1x200xi32, #tpu.memory_space<vmem>> -> memref<200xi32, #tpu.memory_space<vmem>>
      %dma_wait3A_214 = arith.constant 0 : i32
      %dma_wait3A_215 = arith.constant 0 : i32
      %dma_wait3A_216 = tpu.memref_slice %arg3[%dma_wait3A_214, %dma_wait3A_215] : memref<1000000x64xf32, #tpu.memory_space<hbm>> -> memref<1000000x64xf32, #tpu.memory_space<hbm>>
      tpu.wait_indirect_dma semaphore(%arg7 : memref<!tpu.dma_semaphore, #tpu.memory_space<semaphore_mem>>) src(%dma_wait3A_216 : memref<1000000x64xf32, #tpu.memory_space<hbm>>) dst(%dma_wait3A_206 : memref<200x64xf32, #tpu.memory_space<vmem>>)
      %dma_wait3A_217 = arith.constant 0 : i32
      %dma_wait3A_218 = arith.constant 3 : i32
      %dma_wait3A_219 = arith.constant 0 : i32
      %dma_wait3A_220 = arith.constant 3 : i32
      %dma_wait3A_221 = arith.constant 0 : i32
      %dma_wait3A_222 = arith.constant 0 : i32
      %dma_wait3A_223 = arith.constant 0 : i32
      %dma_wait3A_224 = tpu.memref_slice %arg6[%dma_wait3A_219, %dma_wait3A_221, %dma_wait3A_222, %dma_wait3A_223] : memref<2x4x200x64xf32, #tpu.memory_space<vmem>> -> memref<1x4x200x64xf32, #tpu.memory_space<vmem>>
      %dma_wait3A_225 = tpu.memref_squeeze %dma_wait3A_224 : memref<1x4x200x64xf32, #tpu.memory_space<vmem>> -> memref<4x200x64xf32, #tpu.memory_space<vmem>>
      %dma_wait3A_226 = arith.constant 0 : i32
      %dma_wait3A_227 = arith.constant 0 : i32
      %dma_wait3A_228 = tpu.memref_slice %dma_wait3A_225[%dma_wait3A_220, %dma_wait3A_226, %dma_wait3A_227] : memref<4x200x64xf32, #tpu.memory_space<vmem>> -> memref<1x200x64xf32, #tpu.memory_space<vmem>>
      %dma_wait3A_229 = tpu.memref_squeeze %dma_wait3A_228 : memref<1x200x64xf32, #tpu.memory_space<vmem>> -> memref<200x64xf32, #tpu.memory_space<vmem>>
      %dma_wait3A_230 = arith.constant 0 : i32
      %dma_wait3A_231 = arith.constant 0 : i32
      %dma_wait3A_232 = tpu.memref_slice %arg5[%dma_wait3A_217, %dma_wait3A_230, %dma_wait3A_231] : memref<2x4x200xi32, #tpu.memory_space<vmem>> -> memref<1x4x200xi32, #tpu.memory_space<vmem>>
      %dma_wait3A_233 = tpu.memref_squeeze %dma_wait3A_232 : memref<1x4x200xi32, #tpu.memory_space<vmem>> -> memref<4x200xi32, #tpu.memory_space<vmem>>
      %dma_wait3A_234 = arith.constant 0 : i32
      %dma_wait3A_235 = tpu.memref_slice %dma_wait3A_233[%dma_wait3A_218, %dma_wait3A_234] : memref<4x200xi32, #tpu.memory_space<vmem>> -> memref<1x200xi32, #tpu.memory_space<vmem>>
      %dma_wait3A_236 = tpu.memref_squeeze %dma_wait3A_235 : memref<1x200xi32, #tpu.memory_space<vmem>> -> memref<200xi32, #tpu.memory_space<vmem>>
      %dma_wait3A_237 = arith.constant 0 : i32
      %dma_wait3A_238 = arith.constant 0 : i32
      %dma_wait3A_239 = tpu.memref_slice %arg3[%dma_wait3A_237, %dma_wait3A_238] : memref<1000000x64xf32, #tpu.memory_space<hbm>> -> memref<1000000x64xf32, #tpu.memory_space<hbm>>
      tpu.wait_indirect_dma semaphore(%arg7 : memref<!tpu.dma_semaphore, #tpu.memory_space<semaphore_mem>>) src(%dma_wait3A_239 : memref<1000000x64xf32, #tpu.memory_space<hbm>>) dst(%dma_wait3A_229 : memref<200x64xf32, #tpu.memory_space<vmem>>)
      %dma_start3A_240 = arith.constant 0 : i32
      %dma_start3A_241 = arith.constant 0 : i32
      %dma_start3A_242 = arith.constant 0 : i32
      %dma_start3A_243 = arith.constant 0 : i32
      %dma_start3A_244 = tpu.memref_slice %arg6[%dma_start3A_240, %dma_start3A_241, %dma_start3A_242, %dma_start3A_243] : memref<2x4x200x64xf32, #tpu.memory_space<vmem>> -> memref<1x4x200x64xf32, #tpu.memory_space<vmem>>
      %dma_start3A_245 = tpu.memref_squeeze %dma_start3A_244 : memref<1x4x200x64xf32, #tpu.memory_space<vmem>> -> memref<4x200x64xf32, #tpu.memory_space<vmem>>
      %dma_start3A_246 = arith.constant 0 : i32
      %dma_start3A_247 = arith.constant 0 : i32
      %dma_start3A_248 = tpu.memref_slice %arg4[%add3A_54, %dma_start3A_246, %dma_start3A_247] : memref<4096x200x64xf32, #tpu.memory_space<hbm>> -> memref<4x200x64xf32, #tpu.memory_space<hbm>>
      %dma_start3A_249 = arith.constant 0 : i32
      %dma_start3A_250 = arith.constant 0 : i32
      %dma_start3A_251 = tpu.memref_slice %arg4[%add3A_54, %dma_start3A_249, %dma_start3A_250] : memref<4096x200x64xf32, #tpu.memory_space<hbm>> -> memref<4x200x64xf32, #tpu.memory_space<hbm>>
      %dma_start3A_252 = arith.constant 0 : i32
      %dma_start3A_253 = arith.constant 0 : i32
      %dma_start3A_254 = arith.constant 0 : i32
      %dma_start3A_255 = tpu.memref_slice %arg6[%dma_start3A_240, %dma_start3A_252, %dma_start3A_253, %dma_start3A_254] : memref<2x4x200x64xf32, #tpu.memory_space<vmem>> -> memref<1x4x200x64xf32, #tpu.memory_space<vmem>>
      %dma_start3A_256 = tpu.memref_squeeze %dma_start3A_255 : memref<1x4x200x64xf32, #tpu.memory_space<vmem>> -> memref<4x200x64xf32, #tpu.memory_space<vmem>>
      tpu.enqueue_dma source(%dma_start3A_256 : memref<4x200x64xf32, #tpu.memory_space<vmem>>) target(%dma_start3A_251 : memref<4x200x64xf32, #tpu.memory_space<hbm>>) target_semaphore(%arg9 : memref<!tpu.dma_semaphore, #tpu.memory_space<semaphore_mem>>)
      %mul3A_257 = arith.constant 2 : i32
      %mul3A_258 = arith.muli %scan3A_46, %mul3A_257 : i32
      %add3A_259 = arith.constant 1 : i32
      %add3A_260 = arith.addi %mul3A_258, %add3A_259 : i32
      %mul3A_261 = arith.constant 4 : i32
      %mul3A_262 = arith.muli %add3A_260, %mul3A_261 : i32
      %add3A_263 = arith.addi %mul3A_2, %mul3A_262 : i32
      %gt3A_264 = arith.constant 0 : i32
      %gt3A_265 = arith.cmpi sgt, %scan3A_46, %gt3A_264 : i32
      %convert_element_type3A_266 = arith.extui %gt3A_265 : i1 to i32
      %cond3A_267 = arith.constant 0 : i32
      %cond3A_268 = arith.cmpi ne, %convert_element_type3A_266, %cond3A_267 : i32
      scf.if %cond3A_268 {
        %dma_wait3A_472 = arith.constant 1 : i32
        %dma_wait3A_473 = arith.constant 0 : i32
        %dma_wait3A_474 = arith.constant 0 : i32
        %dma_wait3A_475 = arith.constant 0 : i32
        %dma_wait3A_476 = tpu.memref_slice %arg6[%dma_wait3A_472, %dma_wait3A_473, %dma_wait3A_474, %dma_wait3A_475] : memref<2x4x200x64xf32, #tpu.memory_space<vmem>> -> memref<1x4x200x64xf32, #tpu.memory_space<vmem>>
        %dma_wait3A_477 = tpu.memref_squeeze %dma_wait3A_476 : memref<1x4x200x64xf32, #tpu.memory_space<vmem>> -> memref<4x200x64xf32, #tpu.memory_space<vmem>>
        %dma_wait3A_478 = arith.constant 0 : i32
        %dma_wait3A_479 = arith.constant 0 : i32
        %dma_wait3A_480 = tpu.memref_slice %arg4[%add3A_263, %dma_wait3A_478, %dma_wait3A_479] : memref<4096x200x64xf32, #tpu.memory_space<hbm>> -> memref<4x200x64xf32, #tpu.memory_space<hbm>>
        %dma_wait3A_481 = arith.constant 0 : i32
        %dma_wait3A_482 = arith.constant 0 : i32
        %dma_wait3A_483 = tpu.memref_slice %arg4[%add3A_263, %dma_wait3A_481, %dma_wait3A_482] : memref<4096x200x64xf32, #tpu.memory_space<hbm>> -> memref<4x200x64xf32, #tpu.memory_space<hbm>>
        %dma_wait3A_484 = arith.constant 0 : i32
        %dma_wait3A_485 = arith.constant 0 : i32
        %dma_wait3A_486 = arith.constant 0 : i32
        %dma_wait3A_487 = tpu.memref_slice %arg6[%dma_wait3A_472, %dma_wait3A_484, %dma_wait3A_485, %dma_wait3A_486] : memref<2x4x200x64xf32, #tpu.memory_space<vmem>> -> memref<1x4x200x64xf32, #tpu.memory_space<vmem>>
        %dma_wait3A_488 = tpu.memref_squeeze %dma_wait3A_487 : memref<1x4x200x64xf32, #tpu.memory_space<vmem>> -> memref<4x200x64xf32, #tpu.memory_space<vmem>>
        tpu.wait_dma2 semaphore(%arg10 : memref<!tpu.dma_semaphore, #tpu.memory_space<semaphore_mem>>) src(%dma_wait3A_488 : memref<4x200x64xf32, #tpu.memory_space<vmem>>) dst(%dma_wait3A_483 : memref<4x200x64xf32, #tpu.memory_space<hbm>>)
      } else {
      }
      %run_scoped3A_269 = arith.constant 1 : i32
      "tpu.region"() ({
        %run_scoped3A_472 = tpu.sem_alloc : memref<!tpu.dma_semaphore, #tpu.memory_space<semaphore_mem>>
        %dma_start3A_473 = arith.constant 0 : i32
        %dma_start3A_474 = arith.constant 0 : i32
        %dma_start3A_475 = tpu.memref_slice %arg5[%run_scoped3A_269, %dma_start3A_473, %dma_start3A_474] : memref<2x4x200xi32, #tpu.memory_space<vmem>> -> memref<1x4x200xi32, #tpu.memory_space<vmem>>
        %dma_start3A_476 = tpu.memref_squeeze %dma_start3A_475 : memref<1x4x200xi32, #tpu.memory_space<vmem>> -> memref<4x200xi32, #tpu.memory_space<vmem>>
        %dma_start3A_477 = arith.constant 0 : i32
        %dma_start3A_478 = tpu.memref_slice %arg2[%add3A_263, %dma_start3A_477] : memref<4096x200xi32, #tpu.memory_space<hbm>> -> memref<4x200xi32, #tpu.memory_space<hbm>>
        %dma_start3A_479 = arith.constant 0 : i32
        %dma_start3A_480 = arith.constant 0 : i32
        %dma_start3A_481 = tpu.memref_slice %arg5[%run_scoped3A_269, %dma_start3A_479, %dma_start3A_480] : memref<2x4x200xi32, #tpu.memory_space<vmem>> -> memref<1x4x200xi32, #tpu.memory_space<vmem>>
        %dma_start3A_482 = tpu.memref_squeeze %dma_start3A_481 : memref<1x4x200xi32, #tpu.memory_space<vmem>> -> memref<4x200xi32, #tpu.memory_space<vmem>>
        %dma_start3A_483 = arith.constant 0 : i32
        %dma_start3A_484 = tpu.memref_slice %arg2[%add3A_263, %dma_start3A_483] : memref<4096x200xi32, #tpu.memory_space<hbm>> -> memref<4x200xi32, #tpu.memory_space<hbm>>
        tpu.enqueue_dma source(%dma_start3A_484 : memref<4x200xi32, #tpu.memory_space<hbm>>) target(%dma_start3A_482 : memref<4x200xi32, #tpu.memory_space<vmem>>) target_semaphore(%run_scoped3A_472 : memref<!tpu.dma_semaphore, #tpu.memory_space<semaphore_mem>>)
        %dma_wait3A_485 = arith.constant 0 : i32
        %dma_wait3A_486 = arith.constant 0 : i32
        %dma_wait3A_487 = tpu.memref_slice %arg5[%run_scoped3A_269, %dma_wait3A_485, %dma_wait3A_486] : memref<2x4x200xi32, #tpu.memory_space<vmem>> -> memref<1x4x200xi32, #tpu.memory_space<vmem>>
        %dma_wait3A_488 = tpu.memref_squeeze %dma_wait3A_487 : memref<1x4x200xi32, #tpu.memory_space<vmem>> -> memref<4x200xi32, #tpu.memory_space<vmem>>
        %dma_wait3A_489 = arith.constant 0 : i32
        %dma_wait3A_490 = tpu.memref_slice %arg2[%add3A_263, %dma_wait3A_489] : memref<4096x200xi32, #tpu.memory_space<hbm>> -> memref<4x200xi32, #tpu.memory_space<hbm>>
        %dma_wait3A_491 = arith.constant 0 : i32
        %dma_wait3A_492 = arith.constant 0 : i32
        %dma_wait3A_493 = tpu.memref_slice %arg5[%run_scoped3A_269, %dma_wait3A_491, %dma_wait3A_492] : memref<2x4x200xi32, #tpu.memory_space<vmem>> -> memref<1x4x200xi32, #tpu.memory_space<vmem>>
        %dma_wait3A_494 = tpu.memref_squeeze %dma_wait3A_493 : memref<1x4x200xi32, #tpu.memory_space<vmem>> -> memref<4x200xi32, #tpu.memory_space<vmem>>
        %dma_wait3A_495 = arith.constant 0 : i32
        %dma_wait3A_496 = tpu.memref_slice %arg2[%add3A_263, %dma_wait3A_495] : memref<4096x200xi32, #tpu.memory_space<hbm>> -> memref<4x200xi32, #tpu.memory_space<hbm>>
        tpu.wait_dma2 semaphore(%run_scoped3A_472 : memref<!tpu.dma_semaphore, #tpu.memory_space<semaphore_mem>>) src(%dma_wait3A_496 : memref<4x200xi32, #tpu.memory_space<hbm>>) dst(%dma_wait3A_494 : memref<4x200xi32, #tpu.memory_space<vmem>>)
        tpu.yield
      }) : () -> ()
      %dma_start3A_270 = arith.constant 1 : i32
      %dma_start3A_271 = arith.constant 0 : i32
      %dma_start3A_272 = arith.constant 1 : i32
      %dma_start3A_273 = arith.constant 0 : i32
      %dma_start3A_274 = arith.constant 0 : i32
      %dma_start3A_275 = arith.constant 0 : i32
      %dma_start3A_276 = arith.constant 0 : i32
      %dma_start3A_277 = tpu.memref_slice %arg6[%dma_start3A_272, %dma_start3A_274, %dma_start3A_275, %dma_start3A_276] : memref<2x4x200x64xf32, #tpu.memory_space<vmem>> -> memref<1x4x200x64xf32, #tpu.memory_space<vmem>>
      %dma_start3A_278 = tpu.memref_squeeze %dma_start3A_277 : memref<1x4x200x64xf32, #tpu.memory_space<vmem>> -> memref<4x200x64xf32, #tpu.memory_space<vmem>>
      %dma_start3A_279 = arith.constant 0 : i32
      %dma_start3A_280 = arith.constant 0 : i32
      %dma_start3A_281 = tpu.memref_slice %dma_start3A_278[%dma_start3A_273, %dma_start3A_279, %dma_start3A_280] : memref<4x200x64xf32, #tpu.memory_space<vmem>> -> memref<1x200x64xf32, #tpu.memory_space<vmem>>
      %dma_start3A_282 = tpu.memref_squeeze %dma_start3A_281 : memref<1x200x64xf32, #tpu.memory_space<vmem>> -> memref<200x64xf32, #tpu.memory_space<vmem>>
      %dma_start3A_283 = arith.constant 0 : i32
      %dma_start3A_284 = arith.constant 0 : i32
      %dma_start3A_285 = tpu.memref_slice %arg5[%dma_start3A_270, %dma_start3A_283, %dma_start3A_284] : memref<2x4x200xi32, #tpu.memory_space<vmem>> -> memref<1x4x200xi32, #tpu.memory_space<vmem>>
      %dma_start3A_286 = tpu.memref_squeeze %dma_start3A_285 : memref<1x4x200xi32, #tpu.memory_space<vmem>> -> memref<4x200xi32, #tpu.memory_space<vmem>>
      %dma_start3A_287 = arith.constant 0 : i32
      %dma_start3A_288 = tpu.memref_slice %dma_start3A_286[%dma_start3A_271, %dma_start3A_287] : memref<4x200xi32, #tpu.memory_space<vmem>> -> memref<1x200xi32, #tpu.memory_space<vmem>>
      %dma_start3A_289 = tpu.memref_squeeze %dma_start3A_288 : memref<1x200xi32, #tpu.memory_space<vmem>> -> memref<200xi32, #tpu.memory_space<vmem>>
      %dma_start3A_290 = arith.constant 0 : i32
      %dma_start3A_291 = arith.constant 0 : i32
      %dma_start3A_292 = tpu.memref_slice %arg3[%dma_start3A_290, %dma_start3A_291] : memref<1000000x64xf32, #tpu.memory_space<hbm>> -> memref<1000000x64xf32, #tpu.memory_space<hbm>>
      tpu.enqueue_indirect_dma source(%dma_start3A_292 : memref<1000000x64xf32, #tpu.memory_space<hbm>>) target(%dma_start3A_282 : memref<200x64xf32, #tpu.memory_space<vmem>>) offsets(%dma_start3A_289 : memref<200xi32, #tpu.memory_space<vmem>>) semaphore(%arg8 : memref<!tpu.dma_semaphore, #tpu.memory_space<semaphore_mem>>)
      %dma_start3A_293 = arith.constant 1 : i32
      %dma_start3A_294 = arith.constant 1 : i32
      %dma_start3A_295 = arith.constant 1 : i32
      %dma_start3A_296 = arith.constant 1 : i32
      %dma_start3A_297 = arith.constant 0 : i32
      %dma_start3A_298 = arith.constant 0 : i32
      %dma_start3A_299 = arith.constant 0 : i32
      %dma_start3A_300 = tpu.memref_slice %arg6[%dma_start3A_295, %dma_start3A_297, %dma_start3A_298, %dma_start3A_299] : memref<2x4x200x64xf32, #tpu.memory_space<vmem>> -> memref<1x4x200x64xf32, #tpu.memory_space<vmem>>
      %dma_start3A_301 = tpu.memref_squeeze %dma_start3A_300 : memref<1x4x200x64xf32, #tpu.memory_space<vmem>> -> memref<4x200x64xf32, #tpu.memory_space<vmem>>
      %dma_start3A_302 = arith.constant 0 : i32
      %dma_start3A_303 = arith.constant 0 : i32
      %dma_start3A_304 = tpu.memref_slice %dma_start3A_301[%dma_start3A_296, %dma_start3A_302, %dma_start3A_303] : memref<4x200x64xf32, #tpu.memory_space<vmem>> -> memref<1x200x64xf32, #tpu.memory_space<vmem>>
      %dma_start3A_305 = tpu.memref_squeeze %dma_start3A_304 : memref<1x200x64xf32, #tpu.memory_space<vmem>> -> memref<200x64xf32, #tpu.memory_space<vmem>>
      %dma_start3A_306 = arith.constant 0 : i32
      %dma_start3A_307 = arith.constant 0 : i32
      %dma_start3A_308 = tpu.memref_slice %arg5[%dma_start3A_293, %dma_start3A_306, %dma_start3A_307] : memref<2x4x200xi32, #tpu.memory_space<vmem>> -> memref<1x4x200xi32, #tpu.memory_space<vmem>>
      %dma_start3A_309 = tpu.memref_squeeze %dma_start3A_308 : memref<1x4x200xi32, #tpu.memory_space<vmem>> -> memref<4x200xi32, #tpu.memory_space<vmem>>
      %dma_start3A_310 = arith.constant 0 : i32
      %dma_start3A_311 = tpu.memref_slice %dma_start3A_309[%dma_start3A_294, %dma_start3A_310] : memref<4x200xi32, #tpu.memory_space<vmem>> -> memref<1x200xi32, #tpu.memory_space<vmem>>
      %dma_start3A_312 = tpu.memref_squeeze %dma_start3A_311 : memref<1x200xi32, #tpu.memory_space<vmem>> -> memref<200xi32, #tpu.memory_space<vmem>>
      %dma_start3A_313 = arith.constant 0 : i32
      %dma_start3A_314 = arith.constant 0 : i32
      %dma_start3A_315 = tpu.memref_slice %arg3[%dma_start3A_313, %dma_start3A_314] : memref<1000000x64xf32, #tpu.memory_space<hbm>> -> memref<1000000x64xf32, #tpu.memory_space<hbm>>
      tpu.enqueue_indirect_dma source(%dma_start3A_315 : memref<1000000x64xf32, #tpu.memory_space<hbm>>) target(%dma_start3A_305 : memref<200x64xf32, #tpu.memory_space<vmem>>) offsets(%dma_start3A_312 : memref<200xi32, #tpu.memory_space<vmem>>) semaphore(%arg8 : memref<!tpu.dma_semaphore, #tpu.memory_space<semaphore_mem>>)
      %dma_start3A_316 = arith.constant 1 : i32
      %dma_start3A_317 = arith.constant 2 : i32
      %dma_start3A_318 = arith.constant 1 : i32
      %dma_start3A_319 = arith.constant 2 : i32
      %dma_start3A_320 = arith.constant 0 : i32
      %dma_start3A_321 = arith.constant 0 : i32
      %dma_start3A_322 = arith.constant 0 : i32
      %dma_start3A_323 = tpu.memref_slice %arg6[%dma_start3A_318, %dma_start3A_320, %dma_start3A_321, %dma_start3A_322] : memref<2x4x200x64xf32, #tpu.memory_space<vmem>> -> memref<1x4x200x64xf32, #tpu.memory_space<vmem>>
      %dma_start3A_324 = tpu.memref_squeeze %dma_start3A_323 : memref<1x4x200x64xf32, #tpu.memory_space<vmem>> -> memref<4x200x64xf32, #tpu.memory_space<vmem>>
      %dma_start3A_325 = arith.constant 0 : i32
      %dma_start3A_326 = arith.constant 0 : i32
      %dma_start3A_327 = tpu.memref_slice %dma_start3A_324[%dma_start3A_319, %dma_start3A_325, %dma_start3A_326] : memref<4x200x64xf32, #tpu.memory_space<vmem>> -> memref<1x200x64xf32, #tpu.memory_space<vmem>>
      %dma_start3A_328 = tpu.memref_squeeze %dma_start3A_327 : memref<1x200x64xf32, #tpu.memory_space<vmem>> -> memref<200x64xf32, #tpu.memory_space<vmem>>
      %dma_start3A_329 = arith.constant 0 : i32
      %dma_start3A_330 = arith.constant 0 : i32
      %dma_start3A_331 = tpu.memref_slice %arg5[%dma_start3A_316, %dma_start3A_329, %dma_start3A_330] : memref<2x4x200xi32, #tpu.memory_space<vmem>> -> memref<1x4x200xi32, #tpu.memory_space<vmem>>
      %dma_start3A_332 = tpu.memref_squeeze %dma_start3A_331 : memref<1x4x200xi32, #tpu.memory_space<vmem>> -> memref<4x200xi32, #tpu.memory_space<vmem>>
      %dma_start3A_333 = arith.constant 0 : i32
      %dma_start3A_334 = tpu.memref_slice %dma_start3A_332[%dma_start3A_317, %dma_start3A_333] : memref<4x200xi32, #tpu.memory_space<vmem>> -> memref<1x200xi32, #tpu.memory_space<vmem>>
      %dma_start3A_335 = tpu.memref_squeeze %dma_start3A_334 : memref<1x200xi32, #tpu.memory_space<vmem>> -> memref<200xi32, #tpu.memory_space<vmem>>
      %dma_start3A_336 = arith.constant 0 : i32
      %dma_start3A_337 = arith.constant 0 : i32
      %dma_start3A_338 = tpu.memref_slice %arg3[%dma_start3A_336, %dma_start3A_337] : memref<1000000x64xf32, #tpu.memory_space<hbm>> -> memref<1000000x64xf32, #tpu.memory_space<hbm>>
      tpu.enqueue_indirect_dma source(%dma_start3A_338 : memref<1000000x64xf32, #tpu.memory_space<hbm>>) target(%dma_start3A_328 : memref<200x64xf32, #tpu.memory_space<vmem>>) offsets(%dma_start3A_335 : memref<200xi32, #tpu.memory_space<vmem>>) semaphore(%arg8 : memref<!tpu.dma_semaphore, #tpu.memory_space<semaphore_mem>>)
      %dma_start3A_339 = arith.constant 1 : i32
      %dma_start3A_340 = arith.constant 3 : i32
      %dma_start3A_341 = arith.constant 1 : i32
      %dma_start3A_342 = arith.constant 3 : i32
      %dma_start3A_343 = arith.constant 0 : i32
      %dma_start3A_344 = arith.constant 0 : i32
      %dma_start3A_345 = arith.constant 0 : i32
      %dma_start3A_346 = tpu.memref_slice %arg6[%dma_start3A_341, %dma_start3A_343, %dma_start3A_344, %dma_start3A_345] : memref<2x4x200x64xf32, #tpu.memory_space<vmem>> -> memref<1x4x200x64xf32, #tpu.memory_space<vmem>>
      %dma_start3A_347 = tpu.memref_squeeze %dma_start3A_346 : memref<1x4x200x64xf32, #tpu.memory_space<vmem>> -> memref<4x200x64xf32, #tpu.memory_space<vmem>>
      %dma_start3A_348 = arith.constant 0 : i32
      %dma_start3A_349 = arith.constant 0 : i32
      %dma_start3A_350 = tpu.memref_slice %dma_start3A_347[%dma_start3A_342, %dma_start3A_348, %dma_start3A_349] : memref<4x200x64xf32, #tpu.memory_space<vmem>> -> memref<1x200x64xf32, #tpu.memory_space<vmem>>
      %dma_start3A_351 = tpu.memref_squeeze %dma_start3A_350 : memref<1x200x64xf32, #tpu.memory_space<vmem>> -> memref<200x64xf32, #tpu.memory_space<vmem>>
      %dma_start3A_352 = arith.constant 0 : i32
      %dma_start3A_353 = arith.constant 0 : i32
      %dma_start3A_354 = tpu.memref_slice %arg5[%dma_start3A_339, %dma_start3A_352, %dma_start3A_353] : memref<2x4x200xi32, #tpu.memory_space<vmem>> -> memref<1x4x200xi32, #tpu.memory_space<vmem>>
      %dma_start3A_355 = tpu.memref_squeeze %dma_start3A_354 : memref<1x4x200xi32, #tpu.memory_space<vmem>> -> memref<4x200xi32, #tpu.memory_space<vmem>>
      %dma_start3A_356 = arith.constant 0 : i32
      %dma_start3A_357 = tpu.memref_slice %dma_start3A_355[%dma_start3A_340, %dma_start3A_356] : memref<4x200xi32, #tpu.memory_space<vmem>> -> memref<1x200xi32, #tpu.memory_space<vmem>>
      %dma_start3A_358 = tpu.memref_squeeze %dma_start3A_357 : memref<1x200xi32, #tpu.memory_space<vmem>> -> memref<200xi32, #tpu.memory_space<vmem>>
      %dma_start3A_359 = arith.constant 0 : i32
      %dma_start3A_360 = arith.constant 0 : i32
      %dma_start3A_361 = tpu.memref_slice %arg3[%dma_start3A_359, %dma_start3A_360] : memref<1000000x64xf32, #tpu.memory_space<hbm>> -> memref<1000000x64xf32, #tpu.memory_space<hbm>>
      tpu.enqueue_indirect_dma source(%dma_start3A_361 : memref<1000000x64xf32, #tpu.memory_space<hbm>>) target(%dma_start3A_351 : memref<200x64xf32, #tpu.memory_space<vmem>>) offsets(%dma_start3A_358 : memref<200xi32, #tpu.memory_space<vmem>>) semaphore(%arg8 : memref<!tpu.dma_semaphore, #tpu.memory_space<semaphore_mem>>)
      %dma_wait3A_362 = arith.constant 1 : i32
      %dma_wait3A_363 = arith.constant 0 : i32
      %dma_wait3A_364 = arith.constant 1 : i32
      %dma_wait3A_365 = arith.constant 0 : i32
      %dma_wait3A_366 = arith.constant 0 : i32
      %dma_wait3A_367 = arith.constant 0 : i32
      %dma_wait3A_368 = arith.constant 0 : i32
      %dma_wait3A_369 = tpu.memref_slice %arg6[%dma_wait3A_364, %dma_wait3A_366, %dma_wait3A_367, %dma_wait3A_368] : memref<2x4x200x64xf32, #tpu.memory_space<vmem>> -> memref<1x4x200x64xf32, #tpu.memory_space<vmem>>
      %dma_wait3A_370 = tpu.memref_squeeze %dma_wait3A_369 : memref<1x4x200x64xf32, #tpu.memory_space<vmem>> -> memref<4x200x64xf32, #tpu.memory_space<vmem>>
      %dma_wait3A_371 = arith.constant 0 : i32
      %dma_wait3A_372 = arith.constant 0 : i32
      %dma_wait3A_373 = tpu.memref_slice %dma_wait3A_370[%dma_wait3A_365, %dma_wait3A_371, %dma_wait3A_372] : memref<4x200x64xf32, #tpu.memory_space<vmem>> -> memref<1x200x64xf32, #tpu.memory_space<vmem>>
      %dma_wait3A_374 = tpu.memref_squeeze %dma_wait3A_373 : memref<1x200x64xf32, #tpu.memory_space<vmem>> -> memref<200x64xf32, #tpu.memory_space<vmem>>
      %dma_wait3A_375 = arith.constant 0 : i32
      %dma_wait3A_376 = arith.constant 0 : i32
      %dma_wait3A_377 = tpu.memref_slice %arg5[%dma_wait3A_362, %dma_wait3A_375, %dma_wait3A_376] : memref<2x4x200xi32, #tpu.memory_space<vmem>> -> memref<1x4x200xi32, #tpu.memory_space<vmem>>
      %dma_wait3A_378 = tpu.memref_squeeze %dma_wait3A_377 : memref<1x4x200xi32, #tpu.memory_space<vmem>> -> memref<4x200xi32, #tpu.memory_space<vmem>>
      %dma_wait3A_379 = arith.constant 0 : i32
      %dma_wait3A_380 = tpu.memref_slice %dma_wait3A_378[%dma_wait3A_363, %dma_wait3A_379] : memref<4x200xi32, #tpu.memory_space<vmem>> -> memref<1x200xi32, #tpu.memory_space<vmem>>
      %dma_wait3A_381 = tpu.memref_squeeze %dma_wait3A_380 : memref<1x200xi32, #tpu.memory_space<vmem>> -> memref<200xi32, #tpu.memory_space<vmem>>
      %dma_wait3A_382 = arith.constant 0 : i32
      %dma_wait3A_383 = arith.constant 0 : i32
      %dma_wait3A_384 = tpu.memref_slice %arg3[%dma_wait3A_382, %dma_wait3A_383] : memref<1000000x64xf32, #tpu.memory_space<hbm>> -> memref<1000000x64xf32, #tpu.memory_space<hbm>>
      tpu.wait_indirect_dma semaphore(%arg8 : memref<!tpu.dma_semaphore, #tpu.memory_space<semaphore_mem>>) src(%dma_wait3A_384 : memref<1000000x64xf32, #tpu.memory_space<hbm>>) dst(%dma_wait3A_374 : memref<200x64xf32, #tpu.memory_space<vmem>>)
      %dma_wait3A_385 = arith.constant 1 : i32
      %dma_wait3A_386 = arith.constant 1 : i32
      %dma_wait3A_387 = arith.constant 1 : i32
      %dma_wait3A_388 = arith.constant 1 : i32
      %dma_wait3A_389 = arith.constant 0 : i32
      %dma_wait3A_390 = arith.constant 0 : i32
      %dma_wait3A_391 = arith.constant 0 : i32
      %dma_wait3A_392 = tpu.memref_slice %arg6[%dma_wait3A_387, %dma_wait3A_389, %dma_wait3A_390, %dma_wait3A_391] : memref<2x4x200x64xf32, #tpu.memory_space<vmem>> -> memref<1x4x200x64xf32, #tpu.memory_space<vmem>>
      %dma_wait3A_393 = tpu.memref_squeeze %dma_wait3A_392 : memref<1x4x200x64xf32, #tpu.memory_space<vmem>> -> memref<4x200x64xf32, #tpu.memory_space<vmem>>
      %dma_wait3A_394 = arith.constant 0 : i32
      %dma_wait3A_395 = arith.constant 0 : i32
      %dma_wait3A_396 = tpu.memref_slice %dma_wait3A_393[%dma_wait3A_388, %dma_wait3A_394, %dma_wait3A_395] : memref<4x200x64xf32, #tpu.memory_space<vmem>> -> memref<1x200x64xf32, #tpu.memory_space<vmem>>
      %dma_wait3A_397 = tpu.memref_squeeze %dma_wait3A_396 : memref<1x200x64xf32, #tpu.memory_space<vmem>> -> memref<200x64xf32, #tpu.memory_space<vmem>>
      %dma_wait3A_398 = arith.constant 0 : i32
      %dma_wait3A_399 = arith.constant 0 : i32
      %dma_wait3A_400 = tpu.memref_slice %arg5[%dma_wait3A_385, %dma_wait3A_398, %dma_wait3A_399] : memref<2x4x200xi32, #tpu.memory_space<vmem>> -> memref<1x4x200xi32, #tpu.memory_space<vmem>>
      %dma_wait3A_401 = tpu.memref_squeeze %dma_wait3A_400 : memref<1x4x200xi32, #tpu.memory_space<vmem>> -> memref<4x200xi32, #tpu.memory_space<vmem>>
      %dma_wait3A_402 = arith.constant 0 : i32
      %dma_wait3A_403 = tpu.memref_slice %dma_wait3A_401[%dma_wait3A_386, %dma_wait3A_402] : memref<4x200xi32, #tpu.memory_space<vmem>> -> memref<1x200xi32, #tpu.memory_space<vmem>>
      %dma_wait3A_404 = tpu.memref_squeeze %dma_wait3A_403 : memref<1x200xi32, #tpu.memory_space<vmem>> -> memref<200xi32, #tpu.memory_space<vmem>>
      %dma_wait3A_405 = arith.constant 0 : i32
      %dma_wait3A_406 = arith.constant 0 : i32
      %dma_wait3A_407 = tpu.memref_slice %arg3[%dma_wait3A_405, %dma_wait3A_406] : memref<1000000x64xf32, #tpu.memory_space<hbm>> -> memref<1000000x64xf32, #tpu.memory_space<hbm>>
      tpu.wait_indirect_dma semaphore(%arg8 : memref<!tpu.dma_semaphore, #tpu.memory_space<semaphore_mem>>) src(%dma_wait3A_407 : memref<1000000x64xf32, #tpu.memory_space<hbm>>) dst(%dma_wait3A_397 : memref<200x64xf32, #tpu.memory_space<vmem>>)
      %dma_wait3A_408 = arith.constant 1 : i32
      %dma_wait3A_409 = arith.constant 2 : i32
      %dma_wait3A_410 = arith.constant 1 : i32
      %dma_wait3A_411 = arith.constant 2 : i32
      %dma_wait3A_412 = arith.constant 0 : i32
      %dma_wait3A_413 = arith.constant 0 : i32
      %dma_wait3A_414 = arith.constant 0 : i32
      %dma_wait3A_415 = tpu.memref_slice %arg6[%dma_wait3A_410, %dma_wait3A_412, %dma_wait3A_413, %dma_wait3A_414] : memref<2x4x200x64xf32, #tpu.memory_space<vmem>> -> memref<1x4x200x64xf32, #tpu.memory_space<vmem>>
      %dma_wait3A_416 = tpu.memref_squeeze %dma_wait3A_415 : memref<1x4x200x64xf32, #tpu.memory_space<vmem>> -> memref<4x200x64xf32, #tpu.memory_space<vmem>>
      %dma_wait3A_417 = arith.constant 0 : i32
      %dma_wait3A_418 = arith.constant 0 : i32
      %dma_wait3A_419 = tpu.memref_slice %dma_wait3A_416[%dma_wait3A_411, %dma_wait3A_417, %dma_wait3A_418] : memref<4x200x64xf32, #tpu.memory_space<vmem>> -> memref<1x200x64xf32, #tpu.memory_space<vmem>>
      %dma_wait3A_420 = tpu.memref_squeeze %dma_wait3A_419 : memref<1x200x64xf32, #tpu.memory_space<vmem>> -> memref<200x64xf32, #tpu.memory_space<vmem>>
      %dma_wait3A_421 = arith.constant 0 : i32
      %dma_wait3A_422 = arith.constant 0 : i32
      %dma_wait3A_423 = tpu.memref_slice %arg5[%dma_wait3A_408, %dma_wait3A_421, %dma_wait3A_422] : memref<2x4x200xi32, #tpu.memory_space<vmem>> -> memref<1x4x200xi32, #tpu.memory_space<vmem>>
      %dma_wait3A_424 = tpu.memref_squeeze %dma_wait3A_423 : memref<1x4x200xi32, #tpu.memory_space<vmem>> -> memref<4x200xi32, #tpu.memory_space<vmem>>
      %dma_wait3A_425 = arith.constant 0 : i32
      %dma_wait3A_426 = tpu.memref_slice %dma_wait3A_424[%dma_wait3A_409, %dma_wait3A_425] : memref<4x200xi32, #tpu.memory_space<vmem>> -> memref<1x200xi32, #tpu.memory_space<vmem>>
      %dma_wait3A_427 = tpu.memref_squeeze %dma_wait3A_426 : memref<1x200xi32, #tpu.memory_space<vmem>> -> memref<200xi32, #tpu.memory_space<vmem>>
      %dma_wait3A_428 = arith.constant 0 : i32
      %dma_wait3A_429 = arith.constant 0 : i32
      %dma_wait3A_430 = tpu.memref_slice %arg3[%dma_wait3A_428, %dma_wait3A_429] : memref<1000000x64xf32, #tpu.memory_space<hbm>> -> memref<1000000x64xf32, #tpu.memory_space<hbm>>
      tpu.wait_indirect_dma semaphore(%arg8 : memref<!tpu.dma_semaphore, #tpu.memory_space<semaphore_mem>>) src(%dma_wait3A_430 : memref<1000000x64xf32, #tpu.memory_space<hbm>>) dst(%dma_wait3A_420 : memref<200x64xf32, #tpu.memory_space<vmem>>)
      %dma_wait3A_431 = arith.constant 1 : i32
      %dma_wait3A_432 = arith.constant 3 : i32
      %dma_wait3A_433 = arith.constant 1 : i32
      %dma_wait3A_434 = arith.constant 3 : i32
      %dma_wait3A_435 = arith.constant 0 : i32
      %dma_wait3A_436 = arith.constant 0 : i32
      %dma_wait3A_437 = arith.constant 0 : i32
      %dma_wait3A_438 = tpu.memref_slice %arg6[%dma_wait3A_433, %dma_wait3A_435, %dma_wait3A_436, %dma_wait3A_437] : memref<2x4x200x64xf32, #tpu.memory_space<vmem>> -> memref<1x4x200x64xf32, #tpu.memory_space<vmem>>
      %dma_wait3A_439 = tpu.memref_squeeze %dma_wait3A_438 : memref<1x4x200x64xf32, #tpu.memory_space<vmem>> -> memref<4x200x64xf32, #tpu.memory_space<vmem>>
      %dma_wait3A_440 = arith.constant 0 : i32
      %dma_wait3A_441 = arith.constant 0 : i32
      %dma_wait3A_442 = tpu.memref_slice %dma_wait3A_439[%dma_wait3A_434, %dma_wait3A_440, %dma_wait3A_441] : memref<4x200x64xf32, #tpu.memory_space<vmem>> -> memref<1x200x64xf32, #tpu.memory_space<vmem>>
      %dma_wait3A_443 = tpu.memref_squeeze %dma_wait3A_442 : memref<1x200x64xf32, #tpu.memory_space<vmem>> -> memref<200x64xf32, #tpu.memory_space<vmem>>
      %dma_wait3A_444 = arith.constant 0 : i32
      %dma_wait3A_445 = arith.constant 0 : i32
      %dma_wait3A_446 = tpu.memref_slice %arg5[%dma_wait3A_431, %dma_wait3A_444, %dma_wait3A_445] : memref<2x4x200xi32, #tpu.memory_space<vmem>> -> memref<1x4x200xi32, #tpu.memory_space<vmem>>
      %dma_wait3A_447 = tpu.memref_squeeze %dma_wait3A_446 : memref<1x4x200xi32, #tpu.memory_space<vmem>> -> memref<4x200xi32, #tpu.memory_space<vmem>>
      %dma_wait3A_448 = arith.constant 0 : i32
      %dma_wait3A_449 = tpu.memref_slice %dma_wait3A_447[%dma_wait3A_432, %dma_wait3A_448] : memref<4x200xi32, #tpu.memory_space<vmem>> -> memref<1x200xi32, #tpu.memory_space<vmem>>
      %dma_wait3A_450 = tpu.memref_squeeze %dma_wait3A_449 : memref<1x200xi32, #tpu.memory_space<vmem>> -> memref<200xi32, #tpu.memory_space<vmem>>
      %dma_wait3A_451 = arith.constant 0 : i32
      %dma_wait3A_452 = arith.constant 0 : i32
      %dma_wait3A_453 = tpu.memref_slice %arg3[%dma_wait3A_451, %dma_wait3A_452] : memref<1000000x64xf32, #tpu.memory_space<hbm>> -> memref<1000000x64xf32, #tpu.memory_space<hbm>>
      tpu.wait_indirect_dma semaphore(%arg8 : memref<!tpu.dma_semaphore, #tpu.memory_space<semaphore_mem>>) src(%dma_wait3A_453 : memref<1000000x64xf32, #tpu.memory_space<hbm>>) dst(%dma_wait3A_443 : memref<200x64xf32, #tpu.memory_space<vmem>>)
      %dma_start3A_454 = arith.constant 1 : i32
      %dma_start3A_455 = arith.constant 0 : i32
      %dma_start3A_456 = arith.constant 0 : i32
      %dma_start3A_457 = arith.constant 0 : i32
      %dma_start3A_458 = tpu.memref_slice %arg6[%dma_start3A_454, %dma_start3A_455, %dma_start3A_456, %dma_start3A_457] : memref<2x4x200x64xf32, #tpu.memory_space<vmem>> -> memref<1x4x200x64xf32, #tpu.memory_space<vmem>>
      %dma_start3A_459 = tpu.memref_squeeze %dma_start3A_458 : memref<1x4x200x64xf32, #tpu.memory_space<vmem>> -> memref<4x200x64xf32, #tpu.memory_space<vmem>>
      %dma_start3A_460 = arith.constant 0 : i32
      %dma_start3A_461 = arith.constant 0 : i32
      %dma_start3A_462 = tpu.memref_slice %arg4[%add3A_263, %dma_start3A_460, %dma_start3A_461] : memref<4096x200x64xf32, #tpu.memory_space<hbm>> -> memref<4x200x64xf32, #tpu.memory_space<hbm>>
      %dma_start3A_463 = arith.constant 0 : i32
      %dma_start3A_464 = arith.constant 0 : i32
      %dma_start3A_465 = tpu.memref_slice %arg4[%add3A_263, %dma_start3A_463, %dma_start3A_464] : memref<4096x200x64xf32, #tpu.memory_space<hbm>> -> memref<4x200x64xf32, #tpu.memory_space<hbm>>
      %dma_start3A_466 = arith.constant 0 : i32
      %dma_start3A_467 = arith.constant 0 : i32
      %dma_start3A_468 = arith.constant 0 : i32
      %dma_start3A_469 = tpu.memref_slice %arg6[%dma_start3A_454, %dma_start3A_466, %dma_start3A_467, %dma_start3A_468] : memref<2x4x200x64xf32, #tpu.memory_space<vmem>> -> memref<1x4x200x64xf32, #tpu.memory_space<vmem>>
      %dma_start3A_470 = tpu.memref_squeeze %dma_start3A_469 : memref<1x4x200x64xf32, #tpu.memory_space<vmem>> -> memref<4x200x64xf32, #tpu.memory_space<vmem>>
      tpu.enqueue_dma source(%dma_start3A_470 : memref<4x200x64xf32, #tpu.memory_space<vmem>>) target(%dma_start3A_465 : memref<4x200x64xf32, #tpu.memory_space<hbm>>) target_semaphore(%arg10 : memref<!tpu.dma_semaphore, #tpu.memory_space<semaphore_mem>>)
      %scan3A_471 = arith.constant 0 : i32
      scf.yield %scan3A_471 : i32
    }
    %scan3A_8 = arith.constant 16 : i32
    %add3A_9 = arith.constant 120 : i32
    %add3A_10 = arith.addi %mul3A_2, %add3A_9 : i32
    %dma_wait3A = arith.constant 0 : i32
    %dma_wait3A_11 = arith.constant 0 : i32
    %dma_wait3A_12 = arith.constant 0 : i32
    %dma_wait3A_13 = arith.constant 0 : i32
    %dma_wait3A_14 = tpu.memref_slice %arg6[%dma_wait3A, %dma_wait3A_11, %dma_wait3A_12, %dma_wait3A_13] : memref<2x4x200x64xf32, #tpu.memory_space<vmem>> -> memref<1x4x200x64xf32, #tpu.memory_space<vmem>>
    %dma_wait3A_15 = tpu.memref_squeeze %dma_wait3A_14 : memref<1x4x200x64xf32, #tpu.memory_space<vmem>> -> memref<4x200x64xf32, #tpu.memory_space<vmem>>
    %dma_wait3A_16 = arith.constant 0 : i32
    %dma_wait3A_17 = arith.constant 0 : i32
    %dma_wait3A_18 = tpu.memref_slice %arg4[%add3A_10, %dma_wait3A_16, %dma_wait3A_17] : memref<4096x200x64xf32, #tpu.memory_space<hbm>> -> memref<4x200x64xf32, #tpu.memory_space<hbm>>
    %dma_wait3A_19 = arith.constant 0 : i32
    %dma_wait3A_20 = arith.constant 0 : i32
    %dma_wait3A_21 = tpu.memref_slice %arg4[%add3A_10, %dma_wait3A_19, %dma_wait3A_20] : memref<4096x200x64xf32, #tpu.memory_space<hbm>> -> memref<4x200x64xf32, #tpu.memory_space<hbm>>
    %dma_wait3A_22 = arith.constant 0 : i32
    %dma_wait3A_23 = arith.constant 0 : i32
    %dma_wait3A_24 = arith.constant 0 : i32
    %dma_wait3A_25 = tpu.memref_slice %arg6[%dma_wait3A, %dma_wait3A_22, %dma_wait3A_23, %dma_wait3A_24] : memref<2x4x200x64xf32, #tpu.memory_space<vmem>> -> memref<1x4x200x64xf32, #tpu.memory_space<vmem>>
    %dma_wait3A_26 = tpu.memref_squeeze %dma_wait3A_25 : memref<1x4x200x64xf32, #tpu.memory_space<vmem>> -> memref<4x200x64xf32, #tpu.memory_space<vmem>>
    tpu.wait_dma2 semaphore(%arg9 : memref<!tpu.dma_semaphore, #tpu.memory_space<semaphore_mem>>) src(%dma_wait3A_26 : memref<4x200x64xf32, #tpu.memory_space<vmem>>) dst(%dma_wait3A_21 : memref<4x200x64xf32, #tpu.memory_space<hbm>>)
    %add3A_27 = arith.constant 124 : i32
    %add3A_28 = arith.addi %mul3A_2, %add3A_27 : i32
    %dma_wait3A_29 = arith.constant 1 : i32
    %dma_wait3A_30 = arith.constant 0 : i32
    %dma_wait3A_31 = arith.constant 0 : i32
    %dma_wait3A_32 = arith.constant 0 : i32
    %dma_wait3A_33 = tpu.memref_slice %arg6[%dma_wait3A_29, %dma_wait3A_30, %dma_wait3A_31, %dma_wait3A_32] : memref<2x4x200x64xf32, #tpu.memory_space<vmem>> -> memref<1x4x200x64xf32, #tpu.memory_space<vmem>>
    %dma_wait3A_34 = tpu.memref_squeeze %dma_wait3A_33 : memref<1x4x200x64xf32, #tpu.memory_space<vmem>> -> memref<4x200x64xf32, #tpu.memory_space<vmem>>
    %dma_wait3A_35 = arith.constant 0 : i32
    %dma_wait3A_36 = arith.constant 0 : i32
    %dma_wait3A_37 = tpu.memref_slice %arg4[%add3A_28, %dma_wait3A_35, %dma_wait3A_36] : memref<4096x200x64xf32, #tpu.memory_space<hbm>> -> memref<4x200x64xf32, #tpu.memory_space<hbm>>
    %dma_wait3A_38 = arith.constant 0 : i32
    %dma_wait3A_39 = arith.constant 0 : i32
    %dma_wait3A_40 = tpu.memref_slice %arg4[%add3A_28, %dma_wait3A_38, %dma_wait3A_39] : memref<4096x200x64xf32, #tpu.memory_space<hbm>> -> memref<4x200x64xf32, #tpu.memory_space<hbm>>
    %dma_wait3A_41 = arith.constant 0 : i32
    %dma_wait3A_42 = arith.constant 0 : i32
    %dma_wait3A_43 = arith.constant 0 : i32
    %dma_wait3A_44 = tpu.memref_slice %arg6[%dma_wait3A_29, %dma_wait3A_41, %dma_wait3A_42, %dma_wait3A_43] : memref<2x4x200x64xf32, #tpu.memory_space<vmem>> -> memref<1x4x200x64xf32, #tpu.memory_space<vmem>>
    %dma_wait3A_45 = tpu.memref_squeeze %dma_wait3A_44 : memref<1x4x200x64xf32, #tpu.memory_space<vmem>> -> memref<4x200x64xf32, #tpu.memory_space<vmem>>
    tpu.wait_dma2 semaphore(%arg10 : memref<!tpu.dma_semaphore, #tpu.memory_space<semaphore_mem>>) src(%dma_wait3A_45 : memref<4x200x64xf32, #tpu.memory_space<vmem>>) dst(%dma_wait3A_40 : memref<4x200x64xf32, #tpu.memory_space<hbm>>)
    return
  }
}

</mosaic_0001>

<sc_bundles>
// kernel: kernel.3.cloned.1.call-start
scs
__scs_entry_jumppad:
0x0: {  	(pc) =	sbr.rel $0x88, $3  }
0x1: {  	(tag) =	ssettag $0x0;
	lr =	simm.s32 $0x1  }
0x2: {  	[smem:$0x3F9F] =	sst lr;
	_ =	strace $0xD0000000  }
0x3: {  	_ = 	snop  }
0x4: {  	_ = 	snop  }
0x5: {  	_ = 	snop  }
0x6: {  	_ = 	snop  }
0x7: {  	_ = 	snop  }
__scs_overlays_trampoline_lowered:
0x8: {  	[smem:$0x3FAE] =	sst s0  }
0x9: {  	[smem:$0x3FAF] =	sst s1  }
0xa: {  	[smem:$0x3FB0] =	sst s2  }
0xb: {  	[smem:$0x3FB1] =	sst s3  }
0xc: {  	[smem:$0x3FB2] =	sst s4  }
0xd: {  	[smem:$0x3FB3] =	sst s5  }
0xe: {  	[smem:$0x3FB4] =	sst s6  }
0xf: {  	[smem:$0x3FB5] =	sst s7  }
0x10: {  	[smem:$0x3FB6] =	sst s8  }
0x11: {  	[smem:$0x3FB7] =	sst s9;
	s0 =	simm.s32 @!p0 $0x0  }
0x12: {  	s1 =	sld [smem:$0x3F9D];
	s0 =	simm.s32 @p0 $0x1  }
0x13: {  	[smem:$0x3FB8] =	sst s0;
	s0 =	simm.s32 @!p1 $0x0  }
0x14: {  	s2 =	sld [smem:$0x3F9C];
	s0 =	simm.s32 @p1 $0x1  }
0x15: {  	[smem:$0x3FB9] =	sst s0;
	s0 =	simm.s32 @!p2 $0x0  }
0x16: {  	s3 =	sld [smem:$0x3FDB];
	s0 =	simm.s32 @p2 $0x1  }
0x17: {  	s4 =	simm.s32 $0x1BF5;
	[smem:$0x3FBB] =	sst s0  }
0x18: {  	s0 =	sld [smem:$0x3F9E];
	_ =	swait.ge [sflag:s4], $0x0  }
0x19: {  	s7 =	sld [smem:$0x3F9F]  }
0x1a: {  	s8 =	sadd.s32 $0xFFFFE003, lr  }
0x1b: {  	s9 =	sadd.s32 $0xFFFFFEF7, lr;
	s5 =	simm.s32 $0xFFFFFFFF;
	p2 =	slt.u32 s8, $0xFFFFF086  }
0x1c: {  	p1 =	slt.u32 s9, $0xF7A;
	s5 =	simm.s32 @!p2 $0x0  }
0x1d: {  	s5 =	simm.s32 @p1 $0x1;
	p0 =	seq.s32 s7, s2  }
0x1e: {  	s7 =	smul.u32 @!p0 $0xF7A, s2;
	p2 =	seq.s32 @!p0 s5, $0x0  }
0x1f: {  	s9 =	smul.u32 $0xF7A, s1;
	s8 =	simm.s32 @!p0 $0x1BF5;
	p2 =	por !p2, p0  }
0x20: {  	[sflag:s8] =	ssyncset.s32 @!p0 $0xFFFFF086;
	s6 =	sadd.s32 @!p0 s3, s7;
	s7 =	simm.s32 @!p0 $0x108  }
0x21: {  	s3 =	sadd.s32 s3, s9;
	s6 =	sadd.s32 @!p0 $0x88, s6;
	s7 =	simm.s32 @p2 $0x1082  }
0x22: {  	[simem:s7], [sflag:s8] =	dma.local @!p0 [hbm:s6], $0xF7A  }
0x23: {  	s9 =	sor.u32 $0xD0000000, s2;
	s6 =	simm.s32 $0x108;
	_ =	swait.ge @!p0 [sflag:s8], $0x0  }
0x24: {  	s3 =	sadd.s32 $0x88, s3;
	s6 =	simm.s32 @!p1 $0x1082;
	[sflag:s4] =	ssyncset.s32 $0xFFFFF086  }
0x25: {  	[simem:s6], [sflag:s4] =	dma.local [hbm:s3], $0xF7A  }
0x26: {  	[smem:$0x3F9F] =	sst s1;
	(tag) =	ssettag s2;
	_ =	strace s9  }
0x27: {  	s1 =	sld [smem:$0x3FAF]  }
0x28: {  	s2 =	sld [smem:$0x3FB0]  }
0x29: {  	s4 =	sld [smem:$0x3FB2]  }
0x2a: {  	p0 =	seq.s32 s5, $0x0;
	s5 =	sld [smem:$0x3FB3]  }
0x2b: {  	s6 =	sld [smem:$0x3FB4]  }
0x2c: {  	s7 =	sld [smem:$0x3FB5]  }
0x2d: {  	s3 =	simm.s32 $0x108;
	s8 =	sld [smem:$0x3FB6]  }
0x2e: {  	s3 =	simm.s32 @!p0 $0x1082;
	s9 =	sld [smem:$0x3FB7]  }
0x2f: {  	lr =	sadd.s32 s0, s3;
	s0 =	sld [smem:$0x3FAE]  }
0x30: {  	s3 =	sld [smem:$0x3FB1]  }
0x31: {  	[smem:$0x3FBA] =	sst s10  }
0x32: {  	s10 =	sld [smem:$0x3FB8];
	_ =	sdelay $0x3  }
0x33: {  	p0 =	seq.s32 s10, $0x1;
	s10 =	sld [smem:$0x3FBA];
	_ =	sdelay $0x3  }
0x34: {  	[smem:$0x3FBA] =	sst s10  }
0x35: {  	s10 =	sld [smem:$0x3FB9];
	_ =	sdelay $0x3  }
0x36: {  	p1 =	seq.s32 s10, $0x1;
	s10 =	sld [smem:$0x3FBA];
	_ =	sdelay $0x3  }
0x37: {  	[smem:$0x3FBA] =	sst s10  }
0x38: {  	s10 =	sld [smem:$0x3FBB]  }
0x39: {  	_ = 	snop;
	(pc) =	sbr.ind lr, $3  }
0x3a: {  	_ = 	snop  }
0x3b: {  	_ = 	snop  }
0x3c: {  	p2 =	seq.s32 s10, $0x1;
	s10 =	sld [smem:$0x3FBA]  }
0x3d: {  	_ =	shalt  }
0x3e: {  	_ =	shalt  }
0x3f: {  	_ =	shalt  }
0x40: {  	_ =	shalt  }
0x41: {  	_ =	shalt  }
0x42: {  	_ =	shalt  }
0x43: {  	_ =	shalt  }
0x44: {  	_ =	shalt  }
0x45: {  	_ =	shalt  }
0x46: {  	_ =	shalt  }
0x47: {  	_ =	shalt  }
0x48: {  	_ =	shalt  }
0x49: {  	_ =	shalt  }
0x4a: {  	_ =	shalt  }
0x4b: {  	_ =	shalt  }
0x4c: {  	_ =	shalt  }
0x4d: {  	_ =	shalt  }
0x4e: {  	_ =	shalt  }
0x4f: {  	_ =	shalt  }
0x50: {  	_ =	shalt  }
0x51: {  	_ =	shalt  }
0x52: {  	_ =	shalt  }
0x53: {  	_ =	shalt  }
0x54: {  	_ =	shalt  }
0x55: {  	_ =	shalt  }
0x56: {  	_ =	shalt  }
0x57: {  	_ =	shalt  }
0x58: {  	_ =	shalt  }
0x59: {  	_ =	shalt  }
0x5a: {  	_ =	shalt  }
0x5b: {  	_ =	shalt  }
0x5c: {  	_ =	shalt  }
0x5d: {  	_ =	shalt  }
0x5e: {  	_ =	shalt  }
0x5f: {  	_ =	shalt  }
0x60: {  	_ =	shalt  }
0x61: {  	_ =	shalt  }
0x62: {  	_ =	shalt  }
0x63: {  	_ =	shalt  }
0x64: {  	_ =	shalt  }
0x65: {  	_ =	shalt  }
0x66: {  	_ =	shalt  }
0x67: {  	_ =	shalt  }
0x68: {  	_ =	shalt  }
0x69: {  	_ =	shalt  }
0x6a: {  	_ =	shalt  }
0x6b: {  	_ =	shalt  }
0x6c: {  	_ =	shalt  }
0x6d: {  	_ =	shalt  }
0x6e: {  	_ =	shalt  }
0x6f: {  	_ =	shalt  }
0x70: {  	_ =	shalt  }
0x71: {  	_ =	shalt  }
0x72: {  	_ =	shalt  }
0x73: {  	_ =	shalt  }
0x74: {  	_ =	shalt  }
0x75: {  	_ =	shalt  }
0x76: {  	_ =	shalt  }
0x77: {  	_ =	shalt  }
0x78: {  	_ =	shalt  }
0x79: {  	_ =	shalt  }
0x7a: {  	_ =	shalt  }
0x7b: {  	_ =	shalt  }
0x7c: {  	_ =	shalt  }
0x7d: {  	_ =	shalt  }
0x7e: {  	_ =	shalt  }
0x7f: {  	_ =	shalt  }
0x80: {  	_ =	shalt  }
0x81: {  	_ =	shalt  }
0x82: {  	_ =	shalt  }
0x83: {  	_ =	shalt  }
0x84: {  	_ =	shalt  }
0x85: {  	_ =	shalt  }
0x86: {  	_ =	shalt  }
0x87: {  	_ =	shalt  }
.Lfunc_end0:
.L_simem_size_0:
called_computation.1_lowered:
.L_overlay_start_0:
0x88: {  	s2 =	sld [smem:$0x3FD9]  }
0x89: {  	s3 =	sld [smem:$0x3FFE];
	_ =	sdelay $0x1  }
0x8a: {  	s1 =	srdreg.scid  }
0x8b: {  	s0 =	sand.u32 $0x1, s1  }
0x8c: {  	s17 =	sshll.u32 s0, $0xA;
	s2 =	sadd.s32 s3, s2  }
0x8d: {  	s2 =	sadd.s32 s2, s17  }
0x8e: {  	[smem:$0x3FC6] =	sst s2  }
0x8f: {  	_ = 	snop  }
0x90: {  	s2 =	sld [smem:$0x3FD0];
	(tm) =	ssettm $0x1  }
0x91: {  	s18 =	sld [smem:$0x3FFB];
	_ =	sdelay $0x3  }
0x92: {  	_ =	strace s18  }
0x93: {  	s3 =	sld [smem:$0x3FFC];
	_ =	sdelay $0x3  }
0x94: {  	_ =	strace s3  }
0x95: {  	s3 =	sld [smem:$0x3FFD];
	_ =	sdelay $0x3  }
0x96: {  	_ =	strace s3  }
0x97: {  	_ =	strace $0x8FFFFFFF  }
0x98: {  	s19 =	sld [smem:$0x3FDB];
	_ =	sdelay $0x1  }
0x99: {  	s4 =	simm.s32 $_scs_section_size  }
0x9a: {  	s5 =	simm.s32 $_size__tile_overlayer_lowered;
	s6 =	simm.s32 $_tile_overlayer_lowered  }
0x9b: {  	s22 =	simm.s32 $0x1BFF;
	s21 =	sshll.u32 s6, $0x1;
	s3 =	sadd.s32 s4, s19  }
0x9c: {  	s7 =	simm.s32 $0x0;
	s20 =	sshll.u32 s5, $0x1;
	s5 =	sadd.s32 s21, s3  }
0x9d: {  	[timem:s7], [sflag:s22] =	dma.local [hbm:s5], s20  }
0x9e: {  	_ =	swait.ge [sflag:s22], s20  }
0x9f: {  	s4 =	ssub.s32 $0x0, s20;
	[sflag:s22] =	ssyncset.done $0x0  }
0xa0: {  	[sflag:s22] =	ssyncadd.s32 s4;
	_ =	sdelay $0x1  }
0xa1: {  	s23 =	simm.s32 $0x1B8B  }
0xa2: {  	_ =	swait.ge [sflag:s23], $0x1  }
0xa3: {  	[sflag:s23] =	ssyncset.done $0x0  }
0xa4: {  	s25 =	simm.s32 $0x1B8E;
	s24 =	sld [smem:$0x3FFE];
	[sflag:s23] =	ssyncadd.s32 $0xFFFFFFFF  }
0xa5: {  	s26 =	simm.s32 $execute0_lowered;
	[smem:$0x3FD2] =	sst s25  }
0xa6: {  	s5 =	sshll.u32 s26, $0x1;
	_ =	strace $0x80000046;
	[dreg:$0x1] =	wrdreg $0xFFFFFFFF  }
0xa7: {  	s28 =	simm.s32 $_size_execute0_lowered;
	s3 =	sadd.s32 s3, s5;
	[dreg:$0x0] =	wrdreg $0x0  }
0xa8: {  	s5 =	sshll.u32 s28, $0x1;
	[dreg:$0x2] =	wrdreg s3  }
0xa9: {  	[dreg:$0x3] =	wrdreg s5  }
0xaa: {  	[dreg:$0x4] =	wrdreg $0xC0  }
0xab: {  	_ =	task [dreg:s7], $0x5FFFF  }
0xac: {  	[dreg:$0x1] =	wrdreg $0xFFFFFFFF  }
0xad: {  	[dreg:$0x0] =	wrdreg $0x60  }
0xae: {  	[dreg:$0x2] =	wrdreg s24  }
0xaf: {  	[dreg:$0x3] =	wrdreg s2  }
0xb0: {  	[dreg:$0x4] =	wrdreg $0x9  }
0xb1: {  	_ =	task.clear_ibuf [dreg:s7], $0x5FFFF;
	_ =	strace $0x90000046  }
0xb2: {  	s29 =	simm.s32 $0x9;
	_ =	strace $0x80000048  }
0xb3: {  	_ =	swait.ge [sflag:s29], $0x1  }
0xb4: {  	[sflag:s29] =	ssyncadd.s32 $0xFFFFFFFF  }
0xb5: {  	_ =	strace $0x90000048  }
0xb6: {  	_ =	sfence  }
0xb7: {  	s30 =	sld [smem:$0x0];
	_ =	sdelay $0x2  }
0xb8: {  	s31 =	sshll.u32 s1, $0xD;
	s1 =	sshrl.u32 s1, $0x2  }
0xb9: {  	s3 =	sand.u32 $0x4000, s31;
	s1 =	sadd.s32 s1, s30  }
0xba: {  	s0 =	sor.u32 s3, s0;
	s1 =	sshll.u32 s1, $0x11  }
0xbb: {  	s0 =	sor.u32 s1, s0  }
0xbc: {  	s0 =	sadd.s32 $0x8F2B, s0  }
0xbd: {  	[sflag:s0] =	ssyncadd.remote.s32 $0x1  }
0xbe: {  	_ =	sfence.sel $0xFFFF  }
0xbf: {  	[dreg:$0x0] =	wrdreg $0xFFFFFFFF;
	(pc) =	sbr.abs _section_cstart, $3  }
0xc0: {  	[dreg:$0x1] =	wrdreg $0xFFFFFFFF  }
0xc1: {  	_ =	task.clear_ibuf [dreg:s7], $0x2FFFF;
	_ =	strace $0x9FFFFFFF  }
0xc2: {  	(tm) =	ssettm $0x7FFFFFFF  }
0xc3: {  	_ =	shalt  }
tec
execute0_lowered:
.L_overlay_start_1:
0x0: {  	(tag) =	ssettag $0x1  }
0x1: {  	s0 =	rddreg [dreg:$0x0]  }
0x2: {  	s4 =	rddreg [dreg:$0x1]  }
0x3: {  	s1 =	stileid.u32;
	s3 =	srdreg.scid;
	s2 =	simm.s32 $0x0  }
0x4: {  	s10 =	simm.s32 $0x3840;
	s11 =	simm.s32 $0x190;
	s12 =	simm.s32 $0x6A40  }
0x5: {  	s13 =	simm.s32 $0x258;
	s14 =	simm.s32 $0x9C40;
	s15 =	simm.s32 $0x1  }
0x6: {  	s16 =	simm.s32 $0x320;
	s17 =	simm.s32 $0xCE40;
	s18 =	simm.s32 $0x3E8  }
0x7: {  	s19 =	simm.s32 $0x10040;
	s20 =	simm.s32 $0x4B0;
	s21 =	simm.s32 $0x13240  }
0x8: {  	s22 =	simm.s32 $0x578;
	s23 =	simm.s32 $0x16440;
	s24 =	simm.s32 $0x2  }
0x9: {  	s26 =	simm.s32 $0x4;
	s28 =	simm.s32 $0x0;
	s5 =	smul.u32 $0x1900, s1  }
0xa: {  	s3 =	sand.u32 $0x1, s3;
	[smem:$0x7FF] =	sst s2;
	s7 =	smul.u32 $0x64000, s1  }
0xb: {  	s6 =	smul.u32 $0xC80, s3;
	_ =	strace $0x80000047;
	s8 =	ssub.s32 $0x2, s3  }
0xc: {  	s9 =	smul.u32 $0x32000, s3;
	s3 =	sadd.s32 $0xF42E00, s0;
	s5 =	sadd.s32 s5, s0  }
0xd: {  	s30 =	sshrl.u32 s8, $0x1;
	s4 =	sadd.s32 s7, s4;
	s7 =	simm.s32 $0x5  }
0xe: {  	s0 =	ssub.s32 s8, s30;
	s5 =	sadd.s32 s6, s5;
	s31 =	sadd.s32 s9, s4  }
0xf: {  	s8 =	simm.s32 $0xC8;
	s9 =	simm.s32 $0x640;
	s0 =	smax.u32 s0, $0x1  }
0x10: {  	s5 =	sadd.s32 $0xA00, s5;
	[dreg:$0x3] =	wrdreg s0;
	s0 =	sadd.s32 $0x1900, s31  }
.LBB2_1:
0x11: {  	p0 =	por $0x1, $0x1  }
0x12: {  	s6 =	simm.s32 @!p0 $0x3  }
0x13: {  	_ =	swait.ge @!p0 [sflag:s6], $0xC800  }
0x14: {  	[sflag:s6] =	ssyncset.done @!p0 $0x0  }
0x15: {  	s25 =	sadd.s32 $0x0, s5;
	[sflag:s6] =	ssyncadd.s32 @!p0 $0xFFFF3800  }
0x16: {  	[tilespmem:s2], [sflag:$0x5] =	stream.linear.gather [hbm4b:s25+s2], $0x320, $0x38;
	[tilespmem:$0x19640] =	vst v63  }
0x17: {  	_ =	swait.ge [sflag:s7], $0x320  }
0x18: {  	[sflag:s7] =	ssyncset.done $0x0  }
0x19: {  	[sflag:s7] =	ssyncadd.s32 $0xFFFFFCE0  }
0x1a: {  	[tilespmem:s9], [sflag:$0x1] =	stream.indirect.gather [hbm4b:s3+s8], $0x40, s2, s8, $0xb8;
	[tilespmem:$0x19640] =	vst v63  }
0x1b: {  	_ = 	snop  }
0x1c: {  	[tilespmem:s10], [sflag:$0x1] =	stream.indirect.gather [hbm4b:s3+s8], $0x40, s8, s8, $0xb8;
	[tilespmem:$0x19640] =	vst v63  }
0x1d: {  	_ = 	snop  }
0x1e: {  	[tilespmem:s12], [sflag:$0x1] =	stream.indirect.gather [hbm4b:s3+s8], $0x40, s11, s8, $0xb8;
	[tilespmem:$0x19640] =	vst v63  }
0x1f: {  	_ = 	snop  }
0x20: {  	[tilespmem:s14], [sflag:$0x1] =	stream.indirect.gather [hbm4b:s3+s8], $0x40, s13, s8, $0xb8;
	[tilespmem:$0x19640] =	vst v63  }
0x21: {  	_ =	swait.ge [sflag:s15], $0x3200  }
0x22: {  	[sflag:s15] =	ssyncset.done $0x0  }
0x23: {  	[sflag:s15] =	ssyncadd.s32 $0xFFFFCE00  }
0x24: {  	_ =	swait.ge [sflag:s15], $0x3200  }
0x25: {  	[sflag:s15] =	ssyncset.done $0x0  }
0x26: {  	[sflag:s15] =	ssyncadd.s32 $0xFFFFCE00  }
0x27: {  	_ =	swait.ge [sflag:s15], $0x3200  }
0x28: {  	[sflag:s15] =	ssyncset.done $0x0  }
0x29: {  	[sflag:s15] =	ssyncadd.s32 $0xFFFFCE00  }
0x2a: {  	_ =	swait.ge [sflag:s15], $0x3200  }
0x2b: {  	[sflag:s15] =	ssyncset.done $0x0  }
0x2c: {  	s29 =	sadd.s32 $0xFFFFE700, s0;
	s30 =	simm.s32 @!p0 $0x4;
	[sflag:s15] =	ssyncadd.s32 $0xFFFFCE00  }
0x2d: {  	[hbm4b:s29+s2] =	stream.linear.scatter [tilespmem:s9], [sflag:$0x3], $0xC800, $0x38;
	[tilespmem:$0x19640] =	vst v63  }
0x2e: {  	_ =	swait.ge @!p0 [sflag:s30], $0xC800  }
0x2f: {  	[sflag:s30] =	ssyncset.done @!p0 $0x0  }
0x30: {  	s6 =	sadd.s32 $0x64, s25;
	[sflag:s30] =	ssyncadd.s32 @!p0 $0xFFFF3800  }
0x31: {  	[tilespmem:s16], [sflag:$0x5] =	stream.linear.gather [hbm4b:s6+s2], $0x320, $0x38;
	[tilespmem:$0x19640] =	vst v63  }
0x32: {  	_ =	swait.ge [sflag:s7], $0x320  }
0x33: {  	[sflag:s7] =	ssyncset.done $0x0  }
0x34: {  	[sflag:s7] =	ssyncadd.s32 $0xFFFFFCE0  }
0x35: {  	[tilespmem:s17], [sflag:$0x2] =	stream.indirect.gather [hbm4b:s3+s8], $0x40, s16, s8, $0xb8;
	[tilespmem:$0x19640] =	vst v63  }
0x36: {  	_ = 	snop  }
0x37: {  	[tilespmem:s19], [sflag:$0x2] =	stream.indirect.gather [hbm4b:s3+s8], $0x40, s18, s8, $0xb8;
	[tilespmem:$0x19640] =	vst v63  }
0x38: {  	_ = 	snop  }
0x39: {  	[tilespmem:s21], [sflag:$0x2] =	stream.indirect.gather [hbm4b:s3+s8], $0x40, s20, s8, $0xb8;
	[tilespmem:$0x19640] =	vst v63  }
0x3a: {  	_ = 	snop  }
0x3b: {  	[tilespmem:s23], [sflag:$0x2] =	stream.indirect.gather [hbm4b:s3+s8], $0x40, s22, s8, $0xb8;
	[tilespmem:$0x19640] =	vst v63  }
0x3c: {  	_ =	swait.ge [sflag:s24], $0x3200  }
0x3d: {  	[sflag:s24] =	ssyncset.done $0x0  }
0x3e: {  	[sflag:s24] =	ssyncadd.s32 $0xFFFFCE00  }
0x3f: {  	_ =	swait.ge [sflag:s24], $0x3200  }
0x40: {  	[sflag:s24] =	ssyncset.done $0x0  }
0x41: {  	[sflag:s24] =	ssyncadd.s32 $0xFFFFCE00  }
0x42: {  	_ =	swait.ge [sflag:s24], $0x3200  }
0x43: {  	[sflag:s24] =	ssyncset.done $0x0  }
0x44: {  	s31 =	simm.s32 $0x190;
	[sflag:s24] =	ssyncadd.s32 $0xFFFFCE00  }
0x45: {  	s29 =	sadd.s32 $0x3200, s0;
	s30 =	simm.s32 $0xC8;
	_ =	swait.ge [sflag:s24], $0x3200  }
0x46: {  	p0 =	por $0x0, $0x0;
	s6 =	smov.u32 s0;
	[sflag:s24] =	ssyncset.done $0x0  }
.LBB2_2:
0x47: {  	s1 =	simm.s32 @!p0 $0x3  }
0x48: {  	[sflag:s24] =	ssyncadd.s32 $0xFFFFCE00;
	s4 =	smov.u32 s31;
	s31 =	sadd.s32 $0xC8, s31  }
0x49: {  	[hbm4b:s6+s2] =	stream.linear.scatter [tilespmem:s17], [sflag:$0x4], $0xC800, $0x38;
	[tilespmem:$0x19640] =	vst v63  }
0x4a: {  	p1 =	sne.s32 s31, $0xC80;
	s6 =	smov.u32 s29;
	_ =	swait.ge @!p0 [sflag:s1], $0xC800  }
0x4b: {  	[sflag:s1] =	ssyncset.done @!p0 $0x0  }
0x4c: {  	[sflag:s1] =	ssyncadd.s32 @!p0 $0xFFFF3800;
	s1 =	sadd.s32 s30, s5;
	s30 =	smov.u32 s4  }
0x4d: {  	[tilespmem:s2], [sflag:$0x5] =	stream.linear.gather [hbm4b:s1+s2], $0x320, $0x38;
	[tilespmem:$0x19640] =	vst v63  }
0x4e: {  	_ =	swait.ge [sflag:s7], $0x320  }
0x4f: {  	[sflag:s7] =	ssyncset.done $0x0  }
0x50: {  	[sflag:s7] =	ssyncadd.s32 $0xFFFFFCE0  }
0x51: {  	[tilespmem:s9], [sflag:$0x1] =	stream.indirect.gather [hbm4b:s3+s8], $0x40, s2, s8, $0xb8;
	[tilespmem:$0x19640] =	vst v63  }
0x52: {  	_ = 	snop  }
0x53: {  	[tilespmem:s10], [sflag:$0x1] =	stream.indirect.gather [hbm4b:s3+s8], $0x40, s8, s8, $0xb8;
	[tilespmem:$0x19640] =	vst v63  }
0x54: {  	_ = 	snop  }
0x55: {  	[tilespmem:s12], [sflag:$0x1] =	stream.indirect.gather [hbm4b:s3+s8], $0x40, s11, s8, $0xb8;
	[tilespmem:$0x19640] =	vst v63  }
0x56: {  	_ = 	snop  }
0x57: {  	[tilespmem:s14], [sflag:$0x1] =	stream.indirect.gather [hbm4b:s3+s8], $0x40, s13, s8, $0xb8;
	[tilespmem:$0x19640] =	vst v63  }
0x58: {  	_ =	swait.ge [sflag:s15], $0x3200  }
0x59: {  	[sflag:s15] =	ssyncset.done $0x0  }
0x5a: {  	[sflag:s15] =	ssyncadd.s32 $0xFFFFCE00  }
0x5b: {  	_ =	swait.ge [sflag:s15], $0x3200  }
0x5c: {  	[sflag:s15] =	ssyncset.done $0x0  }
0x5d: {  	[sflag:s15] =	ssyncadd.s32 $0xFFFFCE00  }
0x5e: {  	_ =	swait.ge [sflag:s15], $0x3200  }
0x5f: {  	[sflag:s15] =	ssyncset.done $0x0  }
0x60: {  	[sflag:s15] =	ssyncadd.s32 $0xFFFFCE00  }
0x61: {  	_ =	swait.ge [sflag:s15], $0x3200  }
0x62: {  	[sflag:s15] =	ssyncset.done $0x0  }
0x63: {  	s25 =	simm.s32 @!p0 $0x4;
	s4 =	sadd.s32 $0xFFFFE700, s29;
	[sflag:s15] =	ssyncadd.s32 $0xFFFFCE00  }
0x64: {  	[hbm4b:s4+s2] =	stream.linear.scatter [tilespmem:s9], [sflag:$0x3], $0xC800, $0x38;
	[tilespmem:$0x19640] =	vst v63  }
0x65: {  	_ =	swait.ge @!p0 [sflag:s25], $0xC800  }
0x66: {  	[sflag:s25] =	ssyncset.done @!p0 $0x0  }
0x67: {  	s1 =	sadd.s32 $0x64, s1;
	[sflag:s25] =	ssyncadd.s32 @!p0 $0xFFFF3800  }
0x68: {  	[tilespmem:s16], [sflag:$0x5] =	stream.linear.gather [hbm4b:s1+s2], $0x320, $0x38;
	[tilespmem:$0x19640] =	vst v63  }
0x69: {  	_ =	swait.ge [sflag:s7], $0x320  }
0x6a: {  	[sflag:s7] =	ssyncset.done $0x0  }
0x6b: {  	[sflag:s7] =	ssyncadd.s32 $0xFFFFFCE0  }
0x6c: {  	[tilespmem:s17], [sflag:$0x2] =	stream.indirect.gather [hbm4b:s3+s8], $0x40, s16, s8, $0xb8;
	[tilespmem:$0x19640] =	vst v63  }
0x6d: {  	_ = 	snop  }
0x6e: {  	[tilespmem:s19], [sflag:$0x2] =	stream.indirect.gather [hbm4b:s3+s8], $0x40, s18, s8, $0xb8;
	[tilespmem:$0x19640] =	vst v63  }
0x6f: {  	_ = 	snop  }
0x70: {  	[tilespmem:s21], [sflag:$0x2] =	stream.indirect.gather [hbm4b:s3+s8], $0x40, s20, s8, $0xb8;
	[tilespmem:$0x19640] =	vst v63  }
0x71: {  	_ = 	snop  }
0x72: {  	[tilespmem:s23], [sflag:$0x2] =	stream.indirect.gather [hbm4b:s3+s8], $0x40, s22, s8, $0xb8;
	[tilespmem:$0x19640] =	vst v63  }
0x73: {  	_ =	swait.ge [sflag:s24], $0x3200  }
0x74: {  	[sflag:s24] =	ssyncset.done $0x0  }
0x75: {  	[sflag:s24] =	ssyncadd.s32 $0xFFFFCE00  }
0x76: {  	_ =	swait.ge [sflag:s24], $0x3200  }
0x77: {  	[sflag:s24] =	ssyncset.done $0x0  }
0x78: {  	[sflag:s24] =	ssyncadd.s32 $0xFFFFCE00  }
.Ltmp0:
0x79: {  	_ =	swait.ge [sflag:s24], $0x3200;
	(pc) =	sbr.rel @p1 .LBB2_2-.Ltmp0, $4  }
0x7a: {  	[sflag:s24] =	ssyncset.done $0x0  }
0x7b: {  	[sflag:s24] =	ssyncadd.s32 $0xFFFFCE00  }
0x7c: {  	_ =	swait.ge [sflag:s24], $0x3200  }
0x7d: {  	s29 =	sadd.s32 $0x3200, s29;
	p0 =	seq.s32 s30, $0x0;
	[sflag:s24] =	ssyncset.done $0x0  }
0x7e: {  	[sflag:s24] =	ssyncadd.s32 $0xFFFFCE00;
	s1 =	simm.s32 @!p0 $0x3  }
0x7f: {  	[hbm4b:s6+s2] =	stream.linear.scatter [tilespmem:s17], [sflag:$0x4], $0xC800, $0x38;
	[tilespmem:$0x19640] =	vst v63  }
0x80: {  	_ =	swait.ge @!p0 [sflag:s1], $0xC800  }
0x81: {  	[sflag:s1] =	ssyncset.done @!p0 $0x0  }
0x82: {  	s25 =	sadd.s32 s30, s5;
	[sflag:s1] =	ssyncadd.s32 @!p0 $0xFFFF3800  }
0x83: {  	[tilespmem:s2], [sflag:$0x5] =	stream.linear.gather [hbm4b:s25+s2], $0x320, $0x38;
	[tilespmem:$0x19640] =	vst v63  }
0x84: {  	_ =	swait.ge [sflag:s7], $0x320  }
0x85: {  	[sflag:s7] =	ssyncset.done $0x0  }
0x86: {  	[sflag:s7] =	ssyncadd.s32 $0xFFFFFCE0  }
0x87: {  	[tilespmem:s9], [sflag:$0x1] =	stream.indirect.gather [hbm4b:s3+s8], $0x40, s2, s8, $0xb8;
	[tilespmem:$0x19640] =	vst v63  }
0x88: {  	_ = 	snop  }
0x89: {  	[tilespmem:s10], [sflag:$0x1] =	stream.indirect.gather [hbm4b:s3+s8], $0x40, s8, s8, $0xb8;
	[tilespmem:$0x19640] =	vst v63  }
0x8a: {  	_ = 	snop  }
0x8b: {  	[tilespmem:s12], [sflag:$0x1] =	stream.indirect.gather [hbm4b:s3+s8], $0x40, s11, s8, $0xb8;
	[tilespmem:$0x19640] =	vst v63  }
0x8c: {  	_ = 	snop  }
0x8d: {  	[tilespmem:s14], [sflag:$0x1] =	stream.indirect.gather [hbm4b:s3+s8], $0x40, s13, s8, $0xb8;
	[tilespmem:$0x19640] =	vst v63  }
0x8e: {  	_ =	swait.ge [sflag:s15], $0x3200  }
0x8f: {  	[sflag:s15] =	ssyncset.done $0x0  }
0x90: {  	[sflag:s15] =	ssyncadd.s32 $0xFFFFCE00  }
0x91: {  	_ =	swait.ge [sflag:s15], $0x3200  }
0x92: {  	[sflag:s15] =	ssyncset.done $0x0  }
0x93: {  	[sflag:s15] =	ssyncadd.s32 $0xFFFFCE00  }
0x94: {  	_ =	swait.ge [sflag:s15], $0x3200  }
0x95: {  	[sflag:s15] =	ssyncset.done $0x0  }
0x96: {  	[sflag:s15] =	ssyncadd.s32 $0xFFFFCE00  }
0x97: {  	_ =	swait.ge [sflag:s15], $0x3200  }
0x98: {  	[sflag:s15] =	ssyncset.done $0x0  }
0x99: {  	s4 =	sadd.s32 $0xFFFFE700, s29;
	[sflag:s15] =	ssyncadd.s32 $0xFFFFCE00  }
0x9a: {  	[hbm4b:s4+s2] =	stream.linear.scatter [tilespmem:s9], [sflag:$0x3], $0xC800, $0x38;
	[tilespmem:$0x19640] =	vst v63  }
0x9b: {  	s4 =	simm.s32 @!p0 $0x4  }
0x9c: {  	_ =	swait.ge @!p0 [sflag:s4], $0xC800  }
0x9d: {  	[sflag:s4] =	ssyncset.done @!p0 $0x0  }
0x9e: {  	s1 =	sadd.s32 $0x64, s25;
	[sflag:s4] =	ssyncadd.s32 @!p0 $0xFFFF3800  }
0x9f: {  	[tilespmem:s16], [sflag:$0x5] =	stream.linear.gather [hbm4b:s1+s2], $0x320, $0x38;
	[tilespmem:$0x19640] =	vst v63  }
0xa0: {  	_ =	swait.ge [sflag:s7], $0x320  }
0xa1: {  	[sflag:s7] =	ssyncset.done $0x0  }
0xa2: {  	[sflag:s7] =	ssyncadd.s32 $0xFFFFFCE0  }
0xa3: {  	[tilespmem:s17], [sflag:$0x2] =	stream.indirect.gather [hbm4b:s3+s8], $0x40, s16, s8, $0xb8;
	[tilespmem:$0x19640] =	vst v63  }
0xa4: {  	_ = 	snop  }
0xa5: {  	[tilespmem:s19], [sflag:$0x2] =	stream.indirect.gather [hbm4b:s3+s8], $0x40, s18, s8, $0xb8;
	[tilespmem:$0x19640] =	vst v63  }
0xa6: {  	_ = 	snop  }
0xa7: {  	[tilespmem:s21], [sflag:$0x2] =	stream.indirect.gather [hbm4b:s3+s8], $0x40, s20, s8, $0xb8;
	[tilespmem:$0x19640] =	vst v63  }
0xa8: {  	_ = 	snop  }
0xa9: {  	[tilespmem:s23], [sflag:$0x2] =	stream.indirect.gather [hbm4b:s3+s8], $0x40, s22, s8, $0xb8;
	[tilespmem:$0x19640] =	vst v63  }
0xaa: {  	_ =	swait.ge [sflag:s24], $0x3200  }
0xab: {  	[sflag:s24] =	ssyncset.done $0x0  }
0xac: {  	[sflag:s24] =	ssyncadd.s32 $0xFFFFCE00  }
0xad: {  	_ =	swait.ge [sflag:s24], $0x3200  }
0xae: {  	[sflag:s24] =	ssyncset.done $0x0  }
0xaf: {  	[sflag:s24] =	ssyncadd.s32 $0xFFFFCE00  }
0xb0: {  	_ =	swait.ge [sflag:s24], $0x3200  }
0xb1: {  	[sflag:s24] =	ssyncset.done $0x0  }
0xb2: {  	[sflag:s24] =	ssyncadd.s32 $0xFFFFCE00  }
0xb3: {  	_ =	swait.ge [sflag:s24], $0x3200  }
0xb4: {  	[sflag:s24] =	ssyncset.done $0x0  }
0xb5: {  	s30 =	simm.s32 $0x3;
	[sflag:s24] =	ssyncadd.s32 $0xFFFFCE00  }
0xb6: {  	[hbm4b:s29+s2] =	stream.linear.scatter [tilespmem:s17], [sflag:$0x4], $0xC800, $0x38;
	[tilespmem:$0x19640] =	vst v63  }
0xb7: {  	_ =	swait.ge [sflag:s30], $0xC800  }
0xb8: {  	[sflag:s30] =	ssyncset.done $0x0  }
0xb9: {  	[sflag:s30] =	ssyncadd.s32 $0xFFFF3800  }
0xba: {  	_ =	swait.ge [sflag:s26], $0xC800  }
0xbb: {  	s28 =	sadd.s32 $0x1, s28;
	s31 =	rddreg [dreg:$0x3]  }
0xbc: {  	p0 =	sne.s32 s28, s31  }
.Ltmp1:
0xbd: {  	_ = 	snop;
	(pc) =	sbr.rel @p0 .LBB2_1-.Ltmp1, $3  }
0xbe: {  	_ =	sdelay $0x1  }
0xbf: {  	[sflag:s26] =	ssyncset.done $0x0  }
0xc0: {  	[sflag:s26] =	ssyncadd.s32 $0xFFFF3800  }
0xc1: {  	_ =	sfence.sel $0x180000  }
0xc2: {  	[bflag:$0x0] =	sbarrier.arrive $0xFFFF  }
0xc3: {  	_ =	strace $0x90000047  }
0xc4: {  	s0 =	stileid.u32;
	[bflag:$0x2] =	sbarrier.arrive $0xFFFF  }
0xc5: {  	p0 =	sne.s32 s0, $0x0;
	s0 =	rddreg [dreg:$0x2]  }
0xc6: {  	s0 =	sadd.s32 @!p0 $0x100000, s0  }
0xc7: {  	[sflag:s0] =	ssyncadd.tile.s32 @!p0 $0x1;
	_ =	shalt  }
.Lfunc_end2:
_tile_overlayer_lowered:
.L_overlay_start_2:
0xc8: {  	(tag) =	ssettag $0x2  }
0xc9: {  	s0 =	rddreg [dreg:$0x0];
	s2 =	stileid.u32  }
0xca: {  	s1 =	rddreg [dreg:$0x1];
	p0 =	sne.s32 s2, $0x0  }
0xcb: {  	s3 =	rddreg [dreg:$0x2];
	[bflag:$0x3] =	sbarrier.arrive $0xFFFF;
	s2 =	simm.s32 @!p0 $0x1C05  }
0xcc: {  	[timem:s3], [sflag:s2] =	dma.local @!p0 [hbm:s0], s1  }
0xcd: {  	s0 =	simm.s32 @!p0 $0x5  }
0xce: {  	_ =	swait.ge @!p0 [sflag:s0], s1  }
0xcf: {  	s1 =	ssub.s32 @!p0 $0x0, s1;
	[sflag:s0] =	ssyncset.done @!p0 $0x0  }
0xd0: {  	[sflag:s0] =	ssyncadd.s32 @!p0 s1  }
0xd1: {  	[bflag:$0x3] =	sbarrier.arrive $0xFFFF  }
0xd2: {  	_ =	shalt  }

// kernel: sparse-core-data-format-call.cloned.1.call-start
scs
called_computation_lowered:
.L_overlay_start_0:
0x0: {  	s2 =	sld [smem:$0x3FD9]  }
0x1: {  	s3 =	sld [smem:$0x3FFE];
	_ =	sdelay $0x1  }
0x2: {  	s1 =	srdreg.scid  }
0x3: {  	s0 =	sand.u32 $0x1, s1  }
0x4: {  	s18 =	sshll.u32 s0, $0xA;
	s2 =	sadd.s32 s3, s2  }
0x5: {  	s2 =	sadd.s32 s2, s18  }
0x6: {  	[smem:$0x3FC6] =	sst s2  }
0x7: {  	_ = 	snop  }
0x8: {  	s2 =	sld [smem:$0x3FD0];
	(tm) =	ssettm $0x1  }
0x9: {  	s19 =	sld [smem:$0x3FFB];
	_ =	sdelay $0x3  }
0xa: {  	_ =	strace s19  }
0xb: {  	s3 =	sld [smem:$0x3FFC];
	_ =	sdelay $0x3  }
0xc: {  	_ =	strace s3  }
0xd: {  	s3 =	sld [smem:$0x3FFD];
	_ =	sdelay $0x3  }
0xe: {  	_ =	strace s3  }
0xf: {  	_ =	strace $0x8FFFFFFF  }
0x10: {  	s20 =	sld [smem:$0x3FDB];
	_ =	sdelay $0x1  }
0x11: {  	s4 =	simm.s32 $_scs_section_size  }
0x12: {  	s5 =	simm.s32 $_size__tile_overlayer_lowered;
	s6 =	simm.s32 $_tile_overlayer_lowered  }
0x13: {  	s23 =	simm.s32 $0x1BFF;
	s22 =	sshll.u32 s6, $0x1;
	s3 =	sadd.s32 s4, s20  }
0x14: {  	s7 =	simm.s32 $0x0;
	s21 =	sshll.u32 s5, $0x1;
	s5 =	sadd.s32 s22, s3  }
0x15: {  	[timem:s7], [sflag:s23] =	dma.local [hbm:s5], s21  }
0x16: {  	_ =	swait.ge [sflag:s23], s21  }
0x17: {  	s4 =	ssub.s32 $0x0, s21;
	[sflag:s23] =	ssyncset.done $0x0  }
0x18: {  	[sflag:s23] =	ssyncadd.s32 s4;
	_ =	sdelay $0x1  }
0x19: {  	s24 =	simm.s32 $0x1B8B  }
0x1a: {  	_ =	swait.ge [sflag:s24], $0x1  }
0x1b: {  	[sflag:s24] =	ssyncset.done $0x0  }
0x1c: {  	s26 =	simm.s32 $0x1B8E;
	s25 =	sld [smem:$0x3FFE];
	[sflag:s24] =	ssyncadd.s32 $0xFFFFFFFF  }
0x1d: {  	s27 =	simm.s32 $execute0_lowered;
	[smem:$0x3FD2] =	sst s26  }
0x1e: {  	s5 =	sshll.u32 s27, $0x1;
	_ =	strace $0x80000049;
	[dreg:$0x1] =	wrdreg $0xFFFFFFFF  }
0x1f: {  	s28 =	simm.s32 $_size_execute0_lowered;
	s3 =	sadd.s32 s3, s5;
	[dreg:$0x0] =	wrdreg $0x0  }
0x20: {  	s5 =	sshll.u32 s28, $0x1;
	[dreg:$0x2] =	wrdreg s3  }
0x21: {  	[dreg:$0x3] =	wrdreg s5  }
0x22: {  	[dreg:$0x4] =	wrdreg $0xC0  }
0x23: {  	_ =	task [dreg:s7], $0x5FFFF  }
0x24: {  	[dreg:$0x1] =	wrdreg $0xFFFFFFFF  }
0x25: {  	[dreg:$0x0] =	wrdreg $0x60  }
0x26: {  	[dreg:$0x2] =	wrdreg s25  }
0x27: {  	[dreg:$0x3] =	wrdreg s2  }
0x28: {  	[dreg:$0x4] =	wrdreg $0x9  }
0x29: {  	_ =	task.clear_ibuf [dreg:s7], $0x5FFFF;
	_ =	strace $0x90000049  }
0x2a: {  	s29 =	simm.s32 $0x9;
	_ =	strace $0x8000004B  }
0x2b: {  	_ =	swait.ge [sflag:s29], $0x1  }
0x2c: {  	[sflag:s29] =	ssyncadd.s32 $0xFFFFFFFF  }
0x2d: {  	_ =	strace $0x9000004B  }
0x2e: {  	_ =	sfence  }
0x2f: {  	s30 =	sld [smem:$0x0];
	_ =	sdelay $0x2  }
0x30: {  	s31 =	sshll.u32 s1, $0xD;
	s1 =	sshrl.u32 s1, $0x2  }
0x31: {  	s3 =	sand.u32 $0x4000, s31;
	s1 =	sadd.s32 s1, s30  }
0x32: {  	s0 =	sor.u32 s3, s0;
	s1 =	sshll.u32 s1, $0x11  }
0x33: {  	s0 =	sor.u32 s1, s0  }
0x34: {  	s0 =	sadd.s32 $0x8F2B, s0  }
0x35: {  	[sflag:s0] =	ssyncadd.remote.s32 $0x1  }
0x36: {  	_ =	sfence.sel $0xFFFF  }
0x37: {  	[dreg:$0x0] =	wrdreg $0xFFFFFFFF;
	(pc) =	sbr.abs _section_cstart, $3  }
0x38: {  	[dreg:$0x1] =	wrdreg $0xFFFFFFFF  }
0x39: {  	_ =	task.clear_ibuf [dreg:s7], $0x2FFFF;
	_ =	strace $0x9FFFFFFF  }
0x3a: {  	(tm) =	ssettm $0x7FFFFFFF  }
0x3b: {  	_ =	shalt  }
tec
execute0_lowered:
.L_overlay_start_1:
0x0: {  	(tag) =	ssettag $0x1  }
0x1: {  	s0 =	srdreg.scid  }
0x2: {  	s1 =	sshll.u32 s0, $0x4  }
0x3: {  	s0 =	stileid.u32;
	s1 =	sand.u32 $0x10, s1  }
0x4: {  	s1 =	sor.u32 s0, s1  }
0x5: {  	s6 =	rddreg [dreg:$0x0];
	s4 =	simm.s32 $0x1;
	s2 =	sshll.u32 s1, $0x7  }
0x6: {  	s7 =	simm.s32 $0x2;
	s12 =	simm.s32 $0x0;
	s1 =	ssub.s32 $0x1000, s2  }
0x7: {  	s8 =	simm.s32 $0x8000;
	s13 =	simm.s32 $0x0;
	s3 =	sand.u32 $0xF80, s1  }
0x8: {  	s9 =	simm.s32 $0x0;
	s5 =	sshrl.u32 s1, $0xC;
	p0 =	sne.s32 s3, $0x0  }
.Ltmp0:
0x9: {  	s1 =	rddreg [dreg:$0x2];
	s4 =	simm.s32 @!p0 $0x0;
	(pc) =	sbr.rel .LBB1_1-.Ltmp0, $4  }
0xa: {  	s11 =	simm.s32 $0x0;
	s3 =	rddreg [dreg:$0x1];
	s5 =	sadd.s32 s4, s5  }
0xb: {  	_ =	strace $0x8000004A;
	s4 =	simm.s32 $0x1;
	s5 =	smul.u32 $0xC8, s5  }
0xc: {  	s6 =	sadd.s32 $0xA00, s6;
	s10 =	smov.u32 s2;
	[sflag:s4] =	ssyncpa.u1 $0x0  }
0xd: {  	p0 =	por $0x0, $0x0;
	[sflag:s7] =	ssyncpa.u1 $0x0;
	s7 =	sor.u32 $0x1, s5  }
.LBB1_4:
0xe: {  	s16 =	sshll.u32 s13, $0x3;
	s17 =	sand.u32 $0x78, s13  }
0xf: {  	s30 =	sand.u32 $0x7E00, s13;
	s12 =	sshll.u32 s12, $0xF;
	s16 =	sand.u32 $0xC00, s16  }
0x10: {  	[tilespmem:s15+$0x810 ss:$0x81] =	vst.msk $0xffff, v2;
	s31 =	sand.u32 $0x7, s13;
	s16 =	sor.u32 s17, s16;
	s17 =	sadd.s32 s3, s30  }
0x11: {  	[tilespmem:s15+$0x1020 ss:$0x81] =	vst.msk $0xffff, v0;
	s13 =	sshll.u32 s31, $0x12;
	s12 =	sadd.s32 s12, s17;
	s16 =	sshrl.u32 s16, $0x3  }
0x12: {  	[tilespmem:s15+$0x0 ss:$0x81] =	vst.msk $0xffff, v1;
	s13 =	sor.u32 $0x400, s13;
	s12 =	sadd.s32 s16, s12  }
0x13: {  	[hbm4b:s12+s13] =	stream.strided.scatter [tilespmem:s14], [sflag:$0x2], $0x2000, s8, s13, $0x20;
	[tilespmem:$0x8080] =	vst v63  }
.LBB1_5:
0x14: {  	s14 =	sadd.s32 $0x1, s9  }
0x15: {  	s12 =	sadd.s32 $0x1000, s10;
	s16 =	smov.u32 s10;
	p2 =	sgt.s32 s14, $0xC7  }
0x16: {  	s16 =	smov.u32 @p2 s12  }
0x17: {  	s14 =	simm.s32 @p2 $0x0;
	p2 =	sgt.s32 s16, $0xFFF  }
0x18: {  	s16 =	smov.u32 @p2 s2;
	p2 =	sne.s32 s11, s7  }
.Ltmp1:
0x19: {  	p1 =	slt.u32 s11, $0x2;
	(pc) =	sbr.rel @!p2 .LBB1_6-.Ltmp1, $4  }
0x1a: {  	s15 =	simm.s32 @!p1 $0x2  }
0x1b: {  	s13 =	smov.u32 s10;
	p0 =	por !p0, !p0;
	_ =	swait.ge @!p1 [sflag:s15], $0x2000  }
0x1c: {  	s12 =	smov.u32 s9;
	[sflag:s15] =	ssyncset.done @!p1 $0x0;
	s9 =	smov.u32 s14  }
0x1d: {  	s11 =	sadd.s32 $0x1, s11;
	[sflag:s15] =	ssyncadd.s32 @!p1 $0xFFFFE000;
	s10 =	smov.u32 s16  }
.LBB1_1:
0x1e: {  	p1 =	sge.u32 s11, s5  }
0x1f: {  	s14 =	sand.u32 @!p1 $0x1FFFFFF, s9  }
0x20: {  	s15 =	smulhi.u32 @!p1 $0x147AE15, s14;
	_ =	sdelay $0x1  }
0x21: {  	s15 =	smul.u32 @!p1 $0xC8, s15  }
0x22: {  	s16 =	sxor.u32 @!p1 $0xFFFFFFFF, s11;
	s17 =	smul.u32 @!p1 $0xC80, s10  }
0x23: {  	s31 =	sadd.s32 $0xFFFFFFFF, s11;
	s16 =	sshll.u32 @!p1 s16, $0xD;
	s14 =	ssub.s32 @!p1 s14, s15  }
0x24: {  	s15 =	sand.u32 @!p1 $0x2000, s16;
	s16 =	sadd.s32 @!p1 s6, s17;
	s14 =	sshll.u32 @!p1 s14, $0x4  }
0x25: {  	s17 =	simm.s32 @!p1 $0x6400;
	s14 =	sadd.s32 @!p1 s14, s16;
	s16 =	simm.s32 @!p1 $0x40  }
0x26: {  	[tilespmem:s15], [sflag:$0x1] =	stream.strided.gather @!p1 [hbm4b:s14+s16], $0x2000, s17, s16, $0x38;
	[tilespmem:$0x8080] =	vst v63  }
0x27: {  	p1 =	sge.u32 s31, s5  }
.Ltmp2:
0x28: {  	_ = 	snop;
	(pc) =	sbr.rel @p1 .LBB1_5-.Ltmp2, $1  }
0x29: {  	_ =	sdelay $0x3  }
0x2a: {  	s14 =	simm.s32 $0x1  }
0x2b: {  	_ =	swait.ge [sflag:s4], $0x2000;
	s14 =	simm.s32 @!p0 $0x0  }
0x2c: {  	[sflag:s4] =	ssyncset.done $0x0;
	s15 =	sshll.u32 s14, $0xD  }
0x2d: {  	[sflag:s4] =	ssyncadd.s32 $0xFFFFE000;
	s18 =	sor.u32 $0x20, s15  }
0x2e: {  	s14 =	smul.u32 $0x8100, s14;
	v3 =	vld [tilespmem:s18+$0x10]  }
0x2f: {  	s30 =	sand.u32 $0x1, s11;
	v2 =	vld [tilespmem:s18+$0xFFFFFFF0]  }
0x30: {  	s15 =	smul.u32 $0x8100, s30;
	s14 =	sshrl.u32 s14, $0x2;
	v0 =	vld [tilespmem:s18+$0x0]  }
0x31: {  	v1 =	vld [tilespmem:s18+$0xFFFFFFE0];
	s16 =	sor.u32 $0x4000, s14  }
0x32: {  	s31 =	sshrl.u32 s15, $0x2;
	s15 =	sadd.s32 $0x0, s16  }
0x33: {  	s17 =	simm.s32 $0x4;
	s18 =	sadd.s32 $0x40, s18;
	s14 =	sor.u32 $0x4000, s31;
	[tilespmem:s15+$0x1830 ss:$0x81] =	vst.msk $0xffff, v3  }
.LBB1_3:
0x34: {  	v3 =	vld [tilespmem:s18+$0x10];
	p1 =	sne.s32 s17, $0x1FC;
	[tilespmem:s15+$0x810 ss:$0x81] =	vst.msk $0xffff, v2;
	s19 =	smov.u32 s17;
	s17 =	sadd.s32 $0x4, s17  }
.Ltmp3:
0x35: {  	v2 =	vld [tilespmem:s18+$0xFFFFFFF0];
	[tilespmem:s15+$0x1020 ss:$0x81] =	vst.msk $0xffff, v0;
	(pc) =	sbr.rel @p1 .LBB1_3-.Ltmp3, $4  }
0x36: {  	v0 =	vld [tilespmem:s18+$0x0];
	[tilespmem:s15+$0x0 ss:$0x81] =	vst.msk $0xffff, v1  }
0x37: {  	s15 =	sshra.s32 s19, $0x2;
	v1 =	vld [tilespmem:s18+$0xFFFFFFE0]  }
0x38: {  	s15 =	sadd.s32 s15, s16  }
0x39: {  	s18 =	sadd.s32 $0x40, s18;
	[tilespmem:s15+$0x1830 ss:$0x81] =	vst.msk $0xffff, v3  }
.Ltmp4:
0x3a: {  	_ = 	snop;
	(pc) =	sbr.rel .LBB1_4-.Ltmp4, $1  }
0x3b: {  	_ =	sdelay $0x3  }
.LBB1_6:
0x3c: {  	_ =	sfence.sel $0x180000  }
0x3d: {  	s2 =	simm.s32 $0x1;
	[bflag:$0x0] =	sbarrier.arrive $0xFFFF  }
0x3e: {  	s31 =	simm.s32 $0x2;
	[sflag:s2] =	ssyncpa.u1 $0x1  }
0x3f: {  	[sflag:s31] =	ssyncpa.u1 $0x1  }
0x40: {  	p0 =	sne.s32 s0, $0x0;
	_ =	strace $0x9000004A  }
0x41: {  	s0 =	sadd.s32 @!p0 $0x100000, s1;
	[bflag:$0x2] =	sbarrier.arrive $0xFFFF  }
0x42: {  	[sflag:s0] =	ssyncadd.tile.s32 @!p0 $0x1;
	_ =	shalt  }
.Lfunc_end1:
_tile_overlayer_lowered:
.L_overlay_start_2:
0x43: {  	(tag) =	ssettag $0x2  }
0x44: {  	s0 =	rddreg [dreg:$0x0];
	s2 =	stileid.u32  }
0x45: {  	s1 =	rddreg [dreg:$0x1];
	p0 =	sne.s32 s2, $0x0  }
0x46: {  	s3 =	rddreg [dreg:$0x2];
	[bflag:$0x3] =	sbarrier.arrive $0xFFFF;
	s2 =	simm.s32 @!p0 $0x1C01  }
0x47: {  	[timem:s3], [sflag:s2] =	dma.local @!p0 [hbm:s0], s1  }
0x48: {  	s0 =	simm.s32 @!p0 $0x1  }
0x49: {  	_ =	swait.ge @!p0 [sflag:s0], s1  }
0x4a: {  	s1 =	ssub.s32 @!p0 $0x0, s1;
	[sflag:s0] =	ssyncset.done @!p0 $0x0  }
0x4b: {  	[sflag:s0] =	ssyncadd.s32 @!p0 s1  }
0x4c: {  	[bflag:$0x3] =	sbarrier.arrive $0xFFFF  }
0x4d: {  	_ =	shalt  }

</sc_bundles>
